<compile_context>
chip_gen: v7x
topology: tpu7x:2x2x1
jax: 0.10.2.dev20260603
libtpu: 0.0.44.dev20260713+nightly
codegen_flags: <defaults>
</compile_context>

<pallas_src>
import functools

import jax
import jax.numpy as jnp
from jax import lax
from jax.experimental import pallas as pl
from jax.experimental.pallas import tpu as pltpu
from jax.experimental.pallas import tpu_sc as plsc

B = 4096
L = 50
E = 64
EP = 128
H = 512

P = 10
LP = L // P
PW = P * EP
K = L * EP
KC = L * E

NC, NS = 2, 16
NW = NC * NS
B_PER_W = B // NW
CHUNK = 32
ROUNDS = (B_PER_W // CHUNK) * LP
IDX_PER_W = L * B_PER_W

BM = 512


def _sc_gather(emb_pad, idx_r):
    mesh = plsc.VectorSubcoreMesh(core_axis_name="c", subcore_axis_name="s")

    @functools.partial(
        pl.kernel,
        mesh=mesh,
        out_type=jax.ShapeDtypeStruct((B, K), jnp.float32),
        scratch_types=[
            pltpu.VMEM((IDX_PER_W,), jnp.int32),
            pltpu.VMEM((CHUNK, PW), jnp.float32),
            pltpu.VMEM((CHUNK, PW), jnp.float32),
            pltpu.SemaphoreType.DMA,
            pltpu.SemaphoreType.DMA,
            pltpu.SemaphoreType.DMA,
            pltpu.SemaphoreType.DMA,
        ],
    )
    def k(emb_hbm, idx_hbm, out_hbm, idx_v, buf0, buf1, g0, g1, w0, w1):
        wid = lax.axis_index("s") * NC + lax.axis_index("c")
        b0 = wid * B_PER_W
        pltpu.sync_copy(idx_hbm.at[pl.ds(wid * IDX_PER_W, IDX_PER_W)], idx_v)

        def fire(r, buf, sem):
            base = r // 4 * (4 * CHUNK) + (r % 4) * CHUNK
            for p in range(P):
                pltpu.async_copy(
                    emb_hbm.at[idx_v.at[pl.ds(p * 640 + base, CHUNK)]],
                    buf.at[:, pl.ds(p * EP, EP)],
                    sem,
                )

        def out_slice(r):
            return out_hbm.at[
                pl.ds(b0 + (r % 4) * CHUNK, CHUNK), pl.ds(r // 4 * PW, PW)
            ]

        def drain(buf, sem):
            pltpu.make_async_copy(
                out_hbm.at[pl.ds(0, CHUNK), pl.ds(0, PW)], buf, sem
            ).wait()

        fire(0, buf0, g0)
        fire(1, buf1, g1)

        @pl.loop(0, ROUNDS // 2)
        def _(g):
            r0 = 2 * g
            r1 = r0 + 1
            drain(buf0, g0)
            pltpu.async_copy(buf0, out_slice(r0), w0)
            drain(buf1, g1)
            pltpu.async_copy(buf1, out_slice(r1), w1)

            @pl.when(r0 + 2 < ROUNDS)
            def _():
                drain(buf0, w0)
                fire(r0 + 2, buf0, g0)

            @pl.when(r1 + 2 < ROUNDS)
            def _():
                drain(buf1, w1)
                fire(r1 + 2, buf1, g1)

        drain(buf0, w0)
        drain(buf1, w1)

    return k(emb_pad, idx_r)


def _mm_body(x_ref, w_ref, b_ref, o_ref):
    x = x_ref[...].astype(jnp.bfloat16).reshape(BM, L, EP)
    xc = x[:, :, :E].reshape(BM, KC)
    acc = jnp.dot(xc, w_ref[...], preferred_element_type=jnp.float32)
    o_ref[...] = jnp.maximum(acc + b_ref[...], 0.0)


def _tc_matmul(g, Wc, b):
    return pl.pallas_call(
        _mm_body,
        grid=(B // BM,),
        in_specs=[
            pl.BlockSpec((BM, K), lambda i: (i, 0)),
            pl.BlockSpec((KC, H), lambda i: (0, 0)),
            pl.BlockSpec((1, H), lambda i: (0, 0)),
        ],
        out_specs=pl.BlockSpec((BM, H), lambda i: (i, 0)),
        out_shape=jax.ShapeDtypeStruct((B, H), jnp.float32),
    )(g, Wc, b.reshape(1, H))


def kernel(x, emb, W, b):
    emb_pad = jnp.pad(emb, ((0, 0), (0, EP - E)))
    idx_r = (
        x.astype(jnp.int32)
        .reshape(NW, B_PER_W, LP, P)
        .transpose(0, 3, 2, 1)
        .reshape(-1)
    )
    Wc = W.astype(jnp.bfloat16)
    g = _sc_gather(emb_pad, idx_r)
    return _tc_matmul(g, Wc, b)

# --- scband reference (transcript-rebuilt; emitter-appended) ---
"""Pipeline reference for scband-message-encoder-13520557048414 (READ-ONLY COPY).

The authoritative reference and input builder live on the scoring server;
editing this copy changes nothing except your own understanding.
"""

import jax, jax.numpy as jnp
import numpy as np

VOCAB = 100000
MSG_LEN = 50
EMB_DIM = 64
H_DIM = 512
BATCH = 4096

def setup_inputs(seed: int = 0) -> dict:
    key = jax.random.key(seed)
    k1, k2, k3, k4 = jax.random.split(key, 4)
    x = jax.random.randint(k1, (BATCH, MSG_LEN), 0, VOCAB, dtype=jnp.int64 if jax.config.jax_enable_x64 else jnp.int32)
    emb = jax.random.normal(k2, (VOCAB, EMB_DIM), dtype=jnp.float32)
    # torch nn.Linear default init: uniform(-1/sqrt(fan_in), 1/sqrt(fan_in))
    fan_in = MSG_LEN * EMB_DIM
    bound = 1.0 / np.sqrt(fan_in)
    W = jax.random.uniform(k3, (fan_in, H_DIM), minval=-bound, maxval=bound, dtype=jnp.float32)
    b = jax.random.uniform(k4, (H_DIM,), minval=-bound, maxval=bound, dtype=jnp.float32)
    return {"x": x, "emb": emb, "W": W, "b": b}

def reference(x, emb, W, b):
    # embedding lookup (gather)
    x_embedded = jnp.take(emb, x, axis=0)            # [B, L, E]
    x_flat = x_embedded.reshape(x.shape[0], -1)       # [B, L*E]
    out = jnp.maximum(x_flat @ W + b, 0.0)            # Linear + ReLU
    return out

if __name__ == "__main__":
    import jax
    _d = setup_inputs()
    print(jax.jit(kernel)(*tuple(_d.values())))

</pallas_src>

<mosaic_0001>
#map = affine_map<(d0, d1) -> (0, 0)>
#map1 = affine_map<(d0, d1) -> (0)>
module attributes {stable_mosaic.version = 14 : i64} {
  func.func @k(%arg0: i32, %arg1: i32, %arg2: memref<100000x128xf32, #tpu.memory_space<hbm>>, %arg3: memref<204800xi32, #tpu.memory_space<hbm>>, %arg4: memref<4096x6400xf32, #tpu.memory_space<hbm>>, %arg5: memref<6400xi32, #tpu.memory_space<vmem>>, %arg6: memref<32x1280xf32, #tpu.memory_space<vmem>>, %arg7: memref<32x1280xf32, #tpu.memory_space<vmem>>, %arg8: memref<!tpu.dma_semaphore, #tpu.memory_space<semaphore_mem>>, %arg9: memref<!tpu.dma_semaphore, #tpu.memory_space<semaphore_mem>>, %arg10: memref<!tpu.dma_semaphore, #tpu.memory_space<semaphore_mem>>, %arg11: memref<!tpu.dma_semaphore, #tpu.memory_space<semaphore_mem>>) attributes {dimension_semantics = [#tpu.dimension_semantics<core_parallel>, #tpu.dimension_semantics<subcore_parallel>], iteration_bounds = array<i64: 2, 16>, scalar_prefetch = 0 : i64, scratch_operands = 7 : i64, tpu.core_type = #tpu.core_type<sc_vector_subcore>, window_params = [{transform_indices = #map}, {transform_indices = #map1}, {transform_indices = #map}]} {
    %mul3A = arith.constant 2 : i32
    %mul3A_0 = arith.muli %arg1, %mul3A : i32
    %add3A = arith.addi %mul3A_0, %arg0 : i32
    %mul3A_1 = arith.constant 128 : i32
    %mul3A_2 = arith.muli %add3A, %mul3A_1 : i32
    %mul3A_3 = arith.constant 6400 : i32
    %mul3A_4 = arith.muli %add3A, %mul3A_3 : i32
    "tpu.region"() ({
      %run_scoped3A = tpu.sem_alloc : memref<!tpu.dma_semaphore, #tpu.memory_space<semaphore_mem>>
      %dma_start3A_179 = tpu.memref_slice %arg3[%mul3A_4] : memref<204800xi32, #tpu.memory_space<hbm>> -> memref<6400xi32, #tpu.memory_space<hbm>>
      %dma_start3A_180 = tpu.memref_slice %arg3[%mul3A_4] : memref<204800xi32, #tpu.memory_space<hbm>> -> memref<6400xi32, #tpu.memory_space<hbm>>
      tpu.enqueue_dma source(%dma_start3A_180 : memref<6400xi32, #tpu.memory_space<hbm>>) target(%arg5 : memref<6400xi32, #tpu.memory_space<vmem>>) target_semaphore(%run_scoped3A : memref<!tpu.dma_semaphore, #tpu.memory_space<semaphore_mem>>)
      %dma_wait3A_181 = tpu.memref_slice %arg3[%mul3A_4] : memref<204800xi32, #tpu.memory_space<hbm>> -> memref<6400xi32, #tpu.memory_space<hbm>>
      %dma_wait3A_182 = tpu.memref_slice %arg3[%mul3A_4] : memref<204800xi32, #tpu.memory_space<hbm>> -> memref<6400xi32, #tpu.memory_space<hbm>>
      tpu.wait_dma2 semaphore(%run_scoped3A : memref<!tpu.dma_semaphore, #tpu.memory_space<semaphore_mem>>) src(%dma_wait3A_182 : memref<6400xi32, #tpu.memory_space<hbm>>) dst(%arg5 : memref<6400xi32, #tpu.memory_space<vmem>>)
      tpu.yield
    }) : () -> ()
    %dma_start3A = arith.constant 0 : i32
    %dma_start3A_5 = arith.constant 0 : i32
    %dma_start3A_6 = tpu.memref_slice %arg6[%dma_start3A, %dma_start3A_5] : memref<32x1280xf32, #tpu.memory_space<vmem>> -> memref<32x128xf32, #tpu.memory_space<vmem>>
    %dma_start3A_7 = arith.constant 0 : i32
    %dma_start3A_8 = tpu.memref_slice %arg5[%dma_start3A_7] : memref<6400xi32, #tpu.memory_space<vmem>> -> memref<32xi32, #tpu.memory_space<vmem>>
    %dma_start3A_9 = arith.constant 0 : i32
    %dma_start3A_10 = arith.constant 0 : i32
    %dma_start3A_11 = tpu.memref_slice %arg2[%dma_start3A_9, %dma_start3A_10] : memref<100000x128xf32, #tpu.memory_space<hbm>> -> memref<100000x128xf32, #tpu.memory_space<hbm>>
    tpu.enqueue_indirect_dma source(%dma_start3A_11 : memref<100000x128xf32, #tpu.memory_space<hbm>>) target(%dma_start3A_6 : memref<32x128xf32, #tpu.memory_space<vmem>>) offsets(%dma_start3A_8 : memref<32xi32, #tpu.memory_space<vmem>>) semaphore(%arg8 : memref<!tpu.dma_semaphore, #tpu.memory_space<semaphore_mem>>)
    %dma_start3A_12 = arith.constant 0 : i32
    %dma_start3A_13 = arith.constant 128 : i32
    %dma_start3A_14 = tpu.memref_slice %arg6[%dma_start3A_12, %dma_start3A_13] : memref<32x1280xf32, #tpu.memory_space<vmem>> -> memref<32x128xf32, #tpu.memory_space<vmem>>
    %dma_start3A_15 = arith.constant 640 : i32
    %dma_start3A_16 = tpu.memref_slice %arg5[%dma_start3A_15] : memref<6400xi32, #tpu.memory_space<vmem>> -> memref<32xi32, #tpu.memory_space<vmem>>
    %dma_start3A_17 = arith.constant 0 : i32
    %dma_start3A_18 = arith.constant 0 : i32
    %dma_start3A_19 = tpu.memref_slice %arg2[%dma_start3A_17, %dma_start3A_18] : memref<100000x128xf32, #tpu.memory_space<hbm>> -> memref<100000x128xf32, #tpu.memory_space<hbm>>
    tpu.enqueue_indirect_dma source(%dma_start3A_19 : memref<100000x128xf32, #tpu.memory_space<hbm>>) target(%dma_start3A_14 : memref<32x128xf32, #tpu.memory_space<vmem>>) offsets(%dma_start3A_16 : memref<32xi32, #tpu.memory_space<vmem>>) semaphore(%arg8 : memref<!tpu.dma_semaphore, #tpu.memory_space<semaphore_mem>>)
    %dma_start3A_20 = arith.constant 0 : i32
    %dma_start3A_21 = arith.constant 256 : i32
    %dma_start3A_22 = tpu.memref_slice %arg6[%dma_start3A_20, %dma_start3A_21] : memref<32x1280xf32, #tpu.memory_space<vmem>> -> memref<32x128xf32, #tpu.memory_space<vmem>>
    %dma_start3A_23 = arith.constant 1280 : i32
    %dma_start3A_24 = tpu.memref_slice %arg5[%dma_start3A_23] : memref<6400xi32, #tpu.memory_space<vmem>> -> memref<32xi32, #tpu.memory_space<vmem>>
    %dma_start3A_25 = arith.constant 0 : i32
    %dma_start3A_26 = arith.constant 0 : i32
    %dma_start3A_27 = tpu.memref_slice %arg2[%dma_start3A_25, %dma_start3A_26] : memref<100000x128xf32, #tpu.memory_space<hbm>> -> memref<100000x128xf32, #tpu.memory_space<hbm>>
    tpu.enqueue_indirect_dma source(%dma_start3A_27 : memref<100000x128xf32, #tpu.memory_space<hbm>>) target(%dma_start3A_22 : memref<32x128xf32, #tpu.memory_space<vmem>>) offsets(%dma_start3A_24 : memref<32xi32, #tpu.memory_space<vmem>>) semaphore(%arg8 : memref<!tpu.dma_semaphore, #tpu.memory_space<semaphore_mem>>)
    %dma_start3A_28 = arith.constant 0 : i32
    %dma_start3A_29 = arith.constant 384 : i32
    %dma_start3A_30 = tpu.memref_slice %arg6[%dma_start3A_28, %dma_start3A_29] : memref<32x1280xf32, #tpu.memory_space<vmem>> -> memref<32x128xf32, #tpu.memory_space<vmem>>
    %dma_start3A_31 = arith.constant 1920 : i32
    %dma_start3A_32 = tpu.memref_slice %arg5[%dma_start3A_31] : memref<6400xi32, #tpu.memory_space<vmem>> -> memref<32xi32, #tpu.memory_space<vmem>>
    %dma_start3A_33 = arith.constant 0 : i32
    %dma_start3A_34 = arith.constant 0 : i32
    %dma_start3A_35 = tpu.memref_slice %arg2[%dma_start3A_33, %dma_start3A_34] : memref<100000x128xf32, #tpu.memory_space<hbm>> -> memref<100000x128xf32, #tpu.memory_space<hbm>>
    tpu.enqueue_indirect_dma source(%dma_start3A_35 : memref<100000x128xf32, #tpu.memory_space<hbm>>) target(%dma_start3A_30 : memref<32x128xf32, #tpu.memory_space<vmem>>) offsets(%dma_start3A_32 : memref<32xi32, #tpu.memory_space<vmem>>) semaphore(%arg8 : memref<!tpu.dma_semaphore, #tpu.memory_space<semaphore_mem>>)
    %dma_start3A_36 = arith.constant 0 : i32
    %dma_start3A_37 = arith.constant 512 : i32
    %dma_start3A_38 = tpu.memref_slice %arg6[%dma_start3A_36, %dma_start3A_37] : memref<32x1280xf32, #tpu.memory_space<vmem>> -> memref<32x128xf32, #tpu.memory_space<vmem>>
    %dma_start3A_39 = arith.constant 2560 : i32
    %dma_start3A_40 = tpu.memref_slice %arg5[%dma_start3A_39] : memref<6400xi32, #tpu.memory_space<vmem>> -> memref<32xi32, #tpu.memory_space<vmem>>
    %dma_start3A_41 = arith.constant 0 : i32
    %dma_start3A_42 = arith.constant 0 : i32
    %dma_start3A_43 = tpu.memref_slice %arg2[%dma_start3A_41, %dma_start3A_42] : memref<100000x128xf32, #tpu.memory_space<hbm>> -> memref<100000x128xf32, #tpu.memory_space<hbm>>
    tpu.enqueue_indirect_dma source(%dma_start3A_43 : memref<100000x128xf32, #tpu.memory_space<hbm>>) target(%dma_start3A_38 : memref<32x128xf32, #tpu.memory_space<vmem>>) offsets(%dma_start3A_40 : memref<32xi32, #tpu.memory_space<vmem>>) semaphore(%arg8 : memref<!tpu.dma_semaphore, #tpu.memory_space<semaphore_mem>>)
    %dma_start3A_44 = arith.constant 0 : i32
    %dma_start3A_45 = arith.constant 640 : i32
    %dma_start3A_46 = tpu.memref_slice %arg6[%dma_start3A_44, %dma_start3A_45] : memref<32x1280xf32, #tpu.memory_space<vmem>> -> memref<32x128xf32, #tpu.memory_space<vmem>>
    %dma_start3A_47 = arith.constant 3200 : i32
    %dma_start3A_48 = tpu.memref_slice %arg5[%dma_start3A_47] : memref<6400xi32, #tpu.memory_space<vmem>> -> memref<32xi32, #tpu.memory_space<vmem>>
    %dma_start3A_49 = arith.constant 0 : i32
    %dma_start3A_50 = arith.constant 0 : i32
    %dma_start3A_51 = tpu.memref_slice %arg2[%dma_start3A_49, %dma_start3A_50] : memref<100000x128xf32, #tpu.memory_space<hbm>> -> memref<100000x128xf32, #tpu.memory_space<hbm>>
    tpu.enqueue_indirect_dma source(%dma_start3A_51 : memref<100000x128xf32, #tpu.memory_space<hbm>>) target(%dma_start3A_46 : memref<32x128xf32, #tpu.memory_space<vmem>>) offsets(%dma_start3A_48 : memref<32xi32, #tpu.memory_space<vmem>>) semaphore(%arg8 : memref<!tpu.dma_semaphore, #tpu.memory_space<semaphore_mem>>)
    %dma_start3A_52 = arith.constant 0 : i32
    %dma_start3A_53 = arith.constant 768 : i32
    %dma_start3A_54 = tpu.memref_slice %arg6[%dma_start3A_52, %dma_start3A_53] : memref<32x1280xf32, #tpu.memory_space<vmem>> -> memref<32x128xf32, #tpu.memory_space<vmem>>
    %dma_start3A_55 = arith.constant 3840 : i32
    %dma_start3A_56 = tpu.memref_slice %arg5[%dma_start3A_55] : memref<6400xi32, #tpu.memory_space<vmem>> -> memref<32xi32, #tpu.memory_space<vmem>>
    %dma_start3A_57 = arith.constant 0 : i32
    %dma_start3A_58 = arith.constant 0 : i32
    %dma_start3A_59 = tpu.memref_slice %arg2[%dma_start3A_57, %dma_start3A_58] : memref<100000x128xf32, #tpu.memory_space<hbm>> -> memref<100000x128xf32, #tpu.memory_space<hbm>>
    tpu.enqueue_indirect_dma source(%dma_start3A_59 : memref<100000x128xf32, #tpu.memory_space<hbm>>) target(%dma_start3A_54 : memref<32x128xf32, #tpu.memory_space<vmem>>) offsets(%dma_start3A_56 : memref<32xi32, #tpu.memory_space<vmem>>) semaphore(%arg8 : memref<!tpu.dma_semaphore, #tpu.memory_space<semaphore_mem>>)
    %dma_start3A_60 = arith.constant 0 : i32
    %dma_start3A_61 = arith.constant 896 : i32
    %dma_start3A_62 = tpu.memref_slice %arg6[%dma_start3A_60, %dma_start3A_61] : memref<32x1280xf32, #tpu.memory_space<vmem>> -> memref<32x128xf32, #tpu.memory_space<vmem>>
    %dma_start3A_63 = arith.constant 4480 : i32
    %dma_start3A_64 = tpu.memref_slice %arg5[%dma_start3A_63] : memref<6400xi32, #tpu.memory_space<vmem>> -> memref<32xi32, #tpu.memory_space<vmem>>
    %dma_start3A_65 = arith.constant 0 : i32
    %dma_start3A_66 = arith.constant 0 : i32
    %dma_start3A_67 = tpu.memref_slice %arg2[%dma_start3A_65, %dma_start3A_66] : memref<100000x128xf32, #tpu.memory_space<hbm>> -> memref<100000x128xf32, #tpu.memory_space<hbm>>
    tpu.enqueue_indirect_dma source(%dma_start3A_67 : memref<100000x128xf32, #tpu.memory_space<hbm>>) target(%dma_start3A_62 : memref<32x128xf32, #tpu.memory_space<vmem>>) offsets(%dma_start3A_64 : memref<32xi32, #tpu.memory_space<vmem>>) semaphore(%arg8 : memref<!tpu.dma_semaphore, #tpu.memory_space<semaphore_mem>>)
    %dma_start3A_68 = arith.constant 0 : i32
    %dma_start3A_69 = arith.constant 1024 : i32
    %dma_start3A_70 = tpu.memref_slice %arg6[%dma_start3A_68, %dma_start3A_69] : memref<32x1280xf32, #tpu.memory_space<vmem>> -> memref<32x128xf32, #tpu.memory_space<vmem>>
    %dma_start3A_71 = arith.constant 5120 : i32
    %dma_start3A_72 = tpu.memref_slice %arg5[%dma_start3A_71] : memref<6400xi32, #tpu.memory_space<vmem>> -> memref<32xi32, #tpu.memory_space<vmem>>
    %dma_start3A_73 = arith.constant 0 : i32
    %dma_start3A_74 = arith.constant 0 : i32
    %dma_start3A_75 = tpu.memref_slice %arg2[%dma_start3A_73, %dma_start3A_74] : memref<100000x128xf32, #tpu.memory_space<hbm>> -> memref<100000x128xf32, #tpu.memory_space<hbm>>
    tpu.enqueue_indirect_dma source(%dma_start3A_75 : memref<100000x128xf32, #tpu.memory_space<hbm>>) target(%dma_start3A_70 : memref<32x128xf32, #tpu.memory_space<vmem>>) offsets(%dma_start3A_72 : memref<32xi32, #tpu.memory_space<vmem>>) semaphore(%arg8 : memref<!tpu.dma_semaphore, #tpu.memory_space<semaphore_mem>>)
    %dma_start3A_76 = arith.constant 0 : i32
    %dma_start3A_77 = arith.constant 1152 : i32
    %dma_start3A_78 = tpu.memref_slice %arg6[%dma_start3A_76, %dma_start3A_77] : memref<32x1280xf32, #tpu.memory_space<vmem>> -> memref<32x128xf32, #tpu.memory_space<vmem>>
    %dma_start3A_79 = arith.constant 5760 : i32
    %dma_start3A_80 = tpu.memref_slice %arg5[%dma_start3A_79] : memref<6400xi32, #tpu.memory_space<vmem>> -> memref<32xi32, #tpu.memory_space<vmem>>
    %dma_start3A_81 = arith.constant 0 : i32
    %dma_start3A_82 = arith.constant 0 : i32
    %dma_start3A_83 = tpu.memref_slice %arg2[%dma_start3A_81, %dma_start3A_82] : memref<100000x128xf32, #tpu.memory_space<hbm>> -> memref<100000x128xf32, #tpu.memory_space<hbm>>
    tpu.enqueue_indirect_dma source(%dma_start3A_83 : memref<100000x128xf32, #tpu.memory_space<hbm>>) target(%dma_start3A_78 : memref<32x128xf32, #tpu.memory_space<vmem>>) offsets(%dma_start3A_80 : memref<32xi32, #tpu.memory_space<vmem>>) semaphore(%arg8 : memref<!tpu.dma_semaphore, #tpu.memory_space<semaphore_mem>>)
    %dma_start3A_84 = arith.constant 0 : i32
    %dma_start3A_85 = arith.constant 0 : i32
    %dma_start3A_86 = tpu.memref_slice %arg7[%dma_start3A_84, %dma_start3A_85] : memref<32x1280xf32, #tpu.memory_space<vmem>> -> memref<32x128xf32, #tpu.memory_space<vmem>>
    %dma_start3A_87 = arith.constant 32 : i32
    %dma_start3A_88 = tpu.memref_slice %arg5[%dma_start3A_87] : memref<6400xi32, #tpu.memory_space<vmem>> -> memref<32xi32, #tpu.memory_space<vmem>>
    %dma_start3A_89 = arith.constant 0 : i32
    %dma_start3A_90 = arith.constant 0 : i32
    %dma_start3A_91 = tpu.memref_slice %arg2[%dma_start3A_89, %dma_start3A_90] : memref<100000x128xf32, #tpu.memory_space<hbm>> -> memref<100000x128xf32, #tpu.memory_space<hbm>>
    tpu.enqueue_indirect_dma source(%dma_start3A_91 : memref<100000x128xf32, #tpu.memory_space<hbm>>) target(%dma_start3A_86 : memref<32x128xf32, #tpu.memory_space<vmem>>) offsets(%dma_start3A_88 : memref<32xi32, #tpu.memory_space<vmem>>) semaphore(%arg9 : memref<!tpu.dma_semaphore, #tpu.memory_space<semaphore_mem>>)
    %dma_start3A_92 = arith.constant 0 : i32
    %dma_start3A_93 = arith.constant 128 : i32
    %dma_start3A_94 = tpu.memref_slice %arg7[%dma_start3A_92, %dma_start3A_93] : memref<32x1280xf32, #tpu.memory_space<vmem>> -> memref<32x128xf32, #tpu.memory_space<vmem>>
    %dma_start3A_95 = arith.constant 672 : i32
    %dma_start3A_96 = tpu.memref_slice %arg5[%dma_start3A_95] : memref<6400xi32, #tpu.memory_space<vmem>> -> memref<32xi32, #tpu.memory_space<vmem>>
    %dma_start3A_97 = arith.constant 0 : i32
    %dma_start3A_98 = arith.constant 0 : i32
    %dma_start3A_99 = tpu.memref_slice %arg2[%dma_start3A_97, %dma_start3A_98] : memref<100000x128xf32, #tpu.memory_space<hbm>> -> memref<100000x128xf32, #tpu.memory_space<hbm>>
    tpu.enqueue_indirect_dma source(%dma_start3A_99 : memref<100000x128xf32, #tpu.memory_space<hbm>>) target(%dma_start3A_94 : memref<32x128xf32, #tpu.memory_space<vmem>>) offsets(%dma_start3A_96 : memref<32xi32, #tpu.memory_space<vmem>>) semaphore(%arg9 : memref<!tpu.dma_semaphore, #tpu.memory_space<semaphore_mem>>)
    %dma_start3A_100 = arith.constant 0 : i32
    %dma_start3A_101 = arith.constant 256 : i32
    %dma_start3A_102 = tpu.memref_slice %arg7[%dma_start3A_100, %dma_start3A_101] : memref<32x1280xf32, #tpu.memory_space<vmem>> -> memref<32x128xf32, #tpu.memory_space<vmem>>
    %dma_start3A_103 = arith.constant 1312 : i32
    %dma_start3A_104 = tpu.memref_slice %arg5[%dma_start3A_103] : memref<6400xi32, #tpu.memory_space<vmem>> -> memref<32xi32, #tpu.memory_space<vmem>>
    %dma_start3A_105 = arith.constant 0 : i32
    %dma_start3A_106 = arith.constant 0 : i32
    %dma_start3A_107 = tpu.memref_slice %arg2[%dma_start3A_105, %dma_start3A_106] : memref<100000x128xf32, #tpu.memory_space<hbm>> -> memref<100000x128xf32, #tpu.memory_space<hbm>>
    tpu.enqueue_indirect_dma source(%dma_start3A_107 : memref<100000x128xf32, #tpu.memory_space<hbm>>) target(%dma_start3A_102 : memref<32x128xf32, #tpu.memory_space<vmem>>) offsets(%dma_start3A_104 : memref<32xi32, #tpu.memory_space<vmem>>) semaphore(%arg9 : memref<!tpu.dma_semaphore, #tpu.memory_space<semaphore_mem>>)
    %dma_start3A_108 = arith.constant 0 : i32
    %dma_start3A_109 = arith.constant 384 : i32
    %dma_start3A_110 = tpu.memref_slice %arg7[%dma_start3A_108, %dma_start3A_109] : memref<32x1280xf32, #tpu.memory_space<vmem>> -> memref<32x128xf32, #tpu.memory_space<vmem>>
    %dma_start3A_111 = arith.constant 1952 : i32
    %dma_start3A_112 = tpu.memref_slice %arg5[%dma_start3A_111] : memref<6400xi32, #tpu.memory_space<vmem>> -> memref<32xi32, #tpu.memory_space<vmem>>
    %dma_start3A_113 = arith.constant 0 : i32
    %dma_start3A_114 = arith.constant 0 : i32
    %dma_start3A_115 = tpu.memref_slice %arg2[%dma_start3A_113, %dma_start3A_114] : memref<100000x128xf32, #tpu.memory_space<hbm>> -> memref<100000x128xf32, #tpu.memory_space<hbm>>
    tpu.enqueue_indirect_dma source(%dma_start3A_115 : memref<100000x128xf32, #tpu.memory_space<hbm>>) target(%dma_start3A_110 : memref<32x128xf32, #tpu.memory_space<vmem>>) offsets(%dma_start3A_112 : memref<32xi32, #tpu.memory_space<vmem>>) semaphore(%arg9 : memref<!tpu.dma_semaphore, #tpu.memory_space<semaphore_mem>>)
    %dma_start3A_116 = arith.constant 0 : i32
    %dma_start3A_117 = arith.constant 512 : i32
    %dma_start3A_118 = tpu.memref_slice %arg7[%dma_start3A_116, %dma_start3A_117] : memref<32x1280xf32, #tpu.memory_space<vmem>> -> memref<32x128xf32, #tpu.memory_space<vmem>>
    %dma_start3A_119 = arith.constant 2592 : i32
    %dma_start3A_120 = tpu.memref_slice %arg5[%dma_start3A_119] : memref<6400xi32, #tpu.memory_space<vmem>> -> memref<32xi32, #tpu.memory_space<vmem>>
    %dma_start3A_121 = arith.constant 0 : i32
    %dma_start3A_122 = arith.constant 0 : i32
    %dma_start3A_123 = tpu.memref_slice %arg2[%dma_start3A_121, %dma_start3A_122] : memref<100000x128xf32, #tpu.memory_space<hbm>> -> memref<100000x128xf32, #tpu.memory_space<hbm>>
    tpu.enqueue_indirect_dma source(%dma_start3A_123 : memref<100000x128xf32, #tpu.memory_space<hbm>>) target(%dma_start3A_118 : memref<32x128xf32, #tpu.memory_space<vmem>>) offsets(%dma_start3A_120 : memref<32xi32, #tpu.memory_space<vmem>>) semaphore(%arg9 : memref<!tpu.dma_semaphore, #tpu.memory_space<semaphore_mem>>)
    %dma_start3A_124 = arith.constant 0 : i32
    %dma_start3A_125 = arith.constant 640 : i32
    %dma_start3A_126 = tpu.memref_slice %arg7[%dma_start3A_124, %dma_start3A_125] : memref<32x1280xf32, #tpu.memory_space<vmem>> -> memref<32x128xf32, #tpu.memory_space<vmem>>
    %dma_start3A_127 = arith.constant 3232 : i32
    %dma_start3A_128 = tpu.memref_slice %arg5[%dma_start3A_127] : memref<6400xi32, #tpu.memory_space<vmem>> -> memref<32xi32, #tpu.memory_space<vmem>>
    %dma_start3A_129 = arith.constant 0 : i32
    %dma_start3A_130 = arith.constant 0 : i32
    %dma_start3A_131 = tpu.memref_slice %arg2[%dma_start3A_129, %dma_start3A_130] : memref<100000x128xf32, #tpu.memory_space<hbm>> -> memref<100000x128xf32, #tpu.memory_space<hbm>>
    tpu.enqueue_indirect_dma source(%dma_start3A_131 : memref<100000x128xf32, #tpu.memory_space<hbm>>) target(%dma_start3A_126 : memref<32x128xf32, #tpu.memory_space<vmem>>) offsets(%dma_start3A_128 : memref<32xi32, #tpu.memory_space<vmem>>) semaphore(%arg9 : memref<!tpu.dma_semaphore, #tpu.memory_space<semaphore_mem>>)
    %dma_start3A_132 = arith.constant 0 : i32
    %dma_start3A_133 = arith.constant 768 : i32
    %dma_start3A_134 = tpu.memref_slice %arg7[%dma_start3A_132, %dma_start3A_133] : memref<32x1280xf32, #tpu.memory_space<vmem>> -> memref<32x128xf32, #tpu.memory_space<vmem>>
    %dma_start3A_135 = arith.constant 3872 : i32
    %dma_start3A_136 = tpu.memref_slice %arg5[%dma_start3A_135] : memref<6400xi32, #tpu.memory_space<vmem>> -> memref<32xi32, #tpu.memory_space<vmem>>
    %dma_start3A_137 = arith.constant 0 : i32
    %dma_start3A_138 = arith.constant 0 : i32
    %dma_start3A_139 = tpu.memref_slice %arg2[%dma_start3A_137, %dma_start3A_138] : memref<100000x128xf32, #tpu.memory_space<hbm>> -> memref<100000x128xf32, #tpu.memory_space<hbm>>
    tpu.enqueue_indirect_dma source(%dma_start3A_139 : memref<100000x128xf32, #tpu.memory_space<hbm>>) target(%dma_start3A_134 : memref<32x128xf32, #tpu.memory_space<vmem>>) offsets(%dma_start3A_136 : memref<32xi32, #tpu.memory_space<vmem>>) semaphore(%arg9 : memref<!tpu.dma_semaphore, #tpu.memory_space<semaphore_mem>>)
    %dma_start3A_140 = arith.constant 0 : i32
    %dma_start3A_141 = arith.constant 896 : i32
    %dma_start3A_142 = tpu.memref_slice %arg7[%dma_start3A_140, %dma_start3A_141] : memref<32x1280xf32, #tpu.memory_space<vmem>> -> memref<32x128xf32, #tpu.memory_space<vmem>>
    %dma_start3A_143 = arith.constant 4512 : i32
    %dma_start3A_144 = tpu.memref_slice %arg5[%dma_start3A_143] : memref<6400xi32, #tpu.memory_space<vmem>> -> memref<32xi32, #tpu.memory_space<vmem>>
    %dma_start3A_145 = arith.constant 0 : i32
    %dma_start3A_146 = arith.constant 0 : i32
    %dma_start3A_147 = tpu.memref_slice %arg2[%dma_start3A_145, %dma_start3A_146] : memref<100000x128xf32, #tpu.memory_space<hbm>> -> memref<100000x128xf32, #tpu.memory_space<hbm>>
    tpu.enqueue_indirect_dma source(%dma_start3A_147 : memref<100000x128xf32, #tpu.memory_space<hbm>>) target(%dma_start3A_142 : memref<32x128xf32, #tpu.memory_space<vmem>>) offsets(%dma_start3A_144 : memref<32xi32, #tpu.memory_space<vmem>>) semaphore(%arg9 : memref<!tpu.dma_semaphore, #tpu.memory_space<semaphore_mem>>)
    %dma_start3A_148 = arith.constant 0 : i32
    %dma_start3A_149 = arith.constant 1024 : i32
    %dma_start3A_150 = tpu.memref_slice %arg7[%dma_start3A_148, %dma_start3A_149] : memref<32x1280xf32, #tpu.memory_space<vmem>> -> memref<32x128xf32, #tpu.memory_space<vmem>>
    %dma_start3A_151 = arith.constant 5152 : i32
    %dma_start3A_152 = tpu.memref_slice %arg5[%dma_start3A_151] : memref<6400xi32, #tpu.memory_space<vmem>> -> memref<32xi32, #tpu.memory_space<vmem>>
    %dma_start3A_153 = arith.constant 0 : i32
    %dma_start3A_154 = arith.constant 0 : i32
    %dma_start3A_155 = tpu.memref_slice %arg2[%dma_start3A_153, %dma_start3A_154] : memref<100000x128xf32, #tpu.memory_space<hbm>> -> memref<100000x128xf32, #tpu.memory_space<hbm>>
    tpu.enqueue_indirect_dma source(%dma_start3A_155 : memref<100000x128xf32, #tpu.memory_space<hbm>>) target(%dma_start3A_150 : memref<32x128xf32, #tpu.memory_space<vmem>>) offsets(%dma_start3A_152 : memref<32xi32, #tpu.memory_space<vmem>>) semaphore(%arg9 : memref<!tpu.dma_semaphore, #tpu.memory_space<semaphore_mem>>)
    %dma_start3A_156 = arith.constant 0 : i32
    %dma_start3A_157 = arith.constant 1152 : i32
    %dma_start3A_158 = tpu.memref_slice %arg7[%dma_start3A_156, %dma_start3A_157] : memref<32x1280xf32, #tpu.memory_space<vmem>> -> memref<32x128xf32, #tpu.memory_space<vmem>>
    %dma_start3A_159 = arith.constant 5792 : i32
    %dma_start3A_160 = tpu.memref_slice %arg5[%dma_start3A_159] : memref<6400xi32, #tpu.memory_space<vmem>> -> memref<32xi32, #tpu.memory_space<vmem>>
    %dma_start3A_161 = arith.constant 0 : i32
    %dma_start3A_162 = arith.constant 0 : i32
    %dma_start3A_163 = tpu.memref_slice %arg2[%dma_start3A_161, %dma_start3A_162] : memref<100000x128xf32, #tpu.memory_space<hbm>> -> memref<100000x128xf32, #tpu.memory_space<hbm>>
    tpu.enqueue_indirect_dma source(%dma_start3A_163 : memref<100000x128xf32, #tpu.memory_space<hbm>>) target(%dma_start3A_158 : memref<32x128xf32, #tpu.memory_space<vmem>>) offsets(%dma_start3A_160 : memref<32xi32, #tpu.memory_space<vmem>>) semaphore(%arg9 : memref<!tpu.dma_semaphore, #tpu.memory_space<semaphore_mem>>)
    %scan3A = arith.constant 0 : i32
    %scan3A_164 = arith.constant 10 : i32
    %scan3A_165 = arith.addi %scan3A, %scan3A_164 : i32
    %scan3A_166 = arith.constant 1 : i32
    scf.for %scan3A_179 = %scan3A to %scan3A_165 step %scan3A_166  : i32 {
      %mul3A_180 = arith.constant 1 : i32
      %mul3A_181 = arith.muli %scan3A_179, %mul3A_180 : i32
      %add3A_182 = arith.constant 0 : i32
      %add3A_183 = arith.addi %add3A_182, %mul3A_181 : i32
      %mul3A_184 = arith.constant 2 : i32
      %mul3A_185 = arith.muli %mul3A_184, %add3A_183 : i32
      %add3A_186 = arith.constant 1 : i32
      %add3A_187 = arith.addi %mul3A_185, %add3A_186 : i32
      %dma_wait3A_188 = arith.constant 0 : i32
      %dma_wait3A_189 = arith.constant 0 : i32
      %dma_wait3A_190 = tpu.memref_slice %arg4[%dma_wait3A_188, %dma_wait3A_189] : memref<4096x6400xf32, #tpu.memory_space<hbm>> -> memref<32x1280xf32, #tpu.memory_space<hbm>>
      %dma_wait3A_191 = arith.constant 0 : i32
      %dma_wait3A_192 = arith.constant 0 : i32
      %dma_wait3A_193 = tpu.memref_slice %arg4[%dma_wait3A_191, %dma_wait3A_192] : memref<4096x6400xf32, #tpu.memory_space<hbm>> -> memref<32x1280xf32, #tpu.memory_space<hbm>>
      tpu.wait_dma2 semaphore(%arg8 : memref<!tpu.dma_semaphore, #tpu.memory_space<semaphore_mem>>) src(%dma_wait3A_193 : memref<32x1280xf32, #tpu.memory_space<hbm>>) dst(%arg6 : memref<32x1280xf32, #tpu.memory_space<vmem>>)
      %jit3A = arith.constant 4 : i32
      %eq3A = arith.constant 0 : i32
      %eq3A_194 = arith.cmpi eq, %jit3A, %eq3A : i32
      %jit3A_195 = arith.constant 1 : i32
      %select_n3A = arith.select %eq3A_194, %jit3A_195, %jit3A : i32
      %rem3A = arith.remsi %mul3A_185, %select_n3A : i32
      %ne3A = arith.constant 0 : i32
      %ne3A_196 = arith.cmpi ne, %rem3A, %ne3A : i32
      %lt3A = arith.constant 0 : i32
      %lt3A_197 = arith.cmpi slt, %rem3A, %lt3A : i32
      %lt3A_198 = arith.constant 0 : i32
      %lt3A_199 = arith.cmpi slt, %select_n3A, %lt3A_198 : i32
      %ne3A_200 = arith.xori %lt3A_197, %lt3A_199 : i1
      %and3A = arith.andi %ne3A_200, %ne3A_196 : i1
      %add3A_201 = arith.addi %rem3A, %select_n3A : i32
      %select_n3A_202 = arith.select %and3A, %add3A_201, %rem3A : i32
      %mul3A_203 = arith.constant 32 : i32
      %mul3A_204 = arith.muli %select_n3A_202, %mul3A_203 : i32
      %add3A_205 = arith.addi %mul3A_2, %mul3A_204 : i32
      %jit3A_206 = arith.constant 4 : i32
      %div3A = arith.divsi %mul3A_185, %jit3A_206 : i32
      %sign3A = arith.constant 0 : i32
      %sign3A_207 = arith.cmpi sgt, %mul3A_185, %sign3A : i32
      %sign3A_208 = arith.extui %sign3A_207 : i1 to i32
      %sign3A_209 = arith.constant 0 : i32
      %sign3A_210 = arith.cmpi slt, %mul3A_185, %sign3A_209 : i32
      %sign3A_211 = arith.extui %sign3A_210 : i1 to i32
      %sign3A_212 = arith.subi %sign3A_208, %sign3A_211 : i32
      %sign3A_213 = arith.constant 0 : i32
      %sign3A_214 = arith.cmpi sgt, %jit3A_206, %sign3A_213 : i32
      %sign3A_215 = arith.extui %sign3A_214 : i1 to i32
      %sign3A_216 = arith.constant 0 : i32
      %sign3A_217 = arith.cmpi slt, %jit3A_206, %sign3A_216 : i32
      %sign3A_218 = arith.extui %sign3A_217 : i1 to i32
      %sign3A_219 = arith.subi %sign3A_215, %sign3A_218 : i32
      %ne3A_220 = arith.cmpi ne, %sign3A_212, %sign3A_219 : i32
      %rem3A_221 = arith.remsi %mul3A_185, %jit3A_206 : i32
      %ne3A_222 = arith.constant 0 : i32
      %ne3A_223 = arith.cmpi ne, %rem3A_221, %ne3A_222 : i32
      %and3A_224 = arith.andi %ne3A_220, %ne3A_223 : i1
      %sub3A = arith.constant 1 : i32
      %sub3A_225 = arith.subi %div3A, %sub3A : i32
      %select_n3A_226 = arith.select %and3A_224, %sub3A_225, %div3A : i32
      %mul3A_227 = arith.constant 1280 : i32
      %mul3A_228 = arith.muli %select_n3A_226, %mul3A_227 : i32
      %dma_start3A_229 = tpu.memref_slice %arg4[%add3A_205, %mul3A_228] : memref<4096x6400xf32, #tpu.memory_space<hbm>> -> memref<32x1280xf32, #tpu.memory_space<hbm>>
      %dma_start3A_230 = tpu.memref_slice %arg4[%add3A_205, %mul3A_228] : memref<4096x6400xf32, #tpu.memory_space<hbm>> -> memref<32x1280xf32, #tpu.memory_space<hbm>>
      tpu.enqueue_dma source(%arg6 : memref<32x1280xf32, #tpu.memory_space<vmem>>) target(%dma_start3A_230 : memref<32x1280xf32, #tpu.memory_space<hbm>>) target_semaphore(%arg10 : memref<!tpu.dma_semaphore, #tpu.memory_space<semaphore_mem>>)
      %dma_wait3A_231 = arith.constant 0 : i32
      %dma_wait3A_232 = arith.constant 0 : i32
      %dma_wait3A_233 = tpu.memref_slice %arg4[%dma_wait3A_231, %dma_wait3A_232] : memref<4096x6400xf32, #tpu.memory_space<hbm>> -> memref<32x1280xf32, #tpu.memory_space<hbm>>
      %dma_wait3A_234 = arith.constant 0 : i32
      %dma_wait3A_235 = arith.constant 0 : i32
      %dma_wait3A_236 = tpu.memref_slice %arg4[%dma_wait3A_234, %dma_wait3A_235] : memref<4096x6400xf32, #tpu.memory_space<hbm>> -> memref<32x1280xf32, #tpu.memory_space<hbm>>
      tpu.wait_dma2 semaphore(%arg9 : memref<!tpu.dma_semaphore, #tpu.memory_space<semaphore_mem>>) src(%dma_wait3A_236 : memref<32x1280xf32, #tpu.memory_space<hbm>>) dst(%arg7 : memref<32x1280xf32, #tpu.memory_space<vmem>>)
      %jit3A_237 = arith.constant 4 : i32
      %eq3A_238 = arith.constant 0 : i32
      %eq3A_239 = arith.cmpi eq, %jit3A_237, %eq3A_238 : i32
      %jit3A_240 = arith.constant 1 : i32
      %select_n3A_241 = arith.select %eq3A_239, %jit3A_240, %jit3A_237 : i32
      %rem3A_242 = arith.remsi %add3A_187, %select_n3A_241 : i32
      %ne3A_243 = arith.constant 0 : i32
      %ne3A_244 = arith.cmpi ne, %rem3A_242, %ne3A_243 : i32
      %lt3A_245 = arith.constant 0 : i32
      %lt3A_246 = arith.cmpi slt, %rem3A_242, %lt3A_245 : i32
      %lt3A_247 = arith.constant 0 : i32
      %lt3A_248 = arith.cmpi slt, %select_n3A_241, %lt3A_247 : i32
      %ne3A_249 = arith.xori %lt3A_246, %lt3A_248 : i1
      %and3A_250 = arith.andi %ne3A_249, %ne3A_244 : i1
      %add3A_251 = arith.addi %rem3A_242, %select_n3A_241 : i32
      %select_n3A_252 = arith.select %and3A_250, %add3A_251, %rem3A_242 : i32
      %mul3A_253 = arith.constant 32 : i32
      %mul3A_254 = arith.muli %select_n3A_252, %mul3A_253 : i32
      %add3A_255 = arith.addi %mul3A_2, %mul3A_254 : i32
      %jit3A_256 = arith.constant 4 : i32
      %div3A_257 = arith.divsi %add3A_187, %jit3A_256 : i32
      %sign3A_258 = arith.constant 0 : i32
      %sign3A_259 = arith.cmpi sgt, %add3A_187, %sign3A_258 : i32
      %sign3A_260 = arith.extui %sign3A_259 : i1 to i32
      %sign3A_261 = arith.constant 0 : i32
      %sign3A_262 = arith.cmpi slt, %add3A_187, %sign3A_261 : i32
      %sign3A_263 = arith.extui %sign3A_262 : i1 to i32
      %sign3A_264 = arith.subi %sign3A_260, %sign3A_263 : i32
      %sign3A_265 = arith.constant 0 : i32
      %sign3A_266 = arith.cmpi sgt, %jit3A_256, %sign3A_265 : i32
      %sign3A_267 = arith.extui %sign3A_266 : i1 to i32
      %sign3A_268 = arith.constant 0 : i32
      %sign3A_269 = arith.cmpi slt, %jit3A_256, %sign3A_268 : i32
      %sign3A_270 = arith.extui %sign3A_269 : i1 to i32
      %sign3A_271 = arith.subi %sign3A_267, %sign3A_270 : i32
      %ne3A_272 = arith.cmpi ne, %sign3A_264, %sign3A_271 : i32
      %rem3A_273 = arith.remsi %add3A_187, %jit3A_256 : i32
      %ne3A_274 = arith.constant 0 : i32
      %ne3A_275 = arith.cmpi ne, %rem3A_273, %ne3A_274 : i32
      %and3A_276 = arith.andi %ne3A_272, %ne3A_275 : i1
      %sub3A_277 = arith.constant 1 : i32
      %sub3A_278 = arith.subi %div3A_257, %sub3A_277 : i32
      %select_n3A_279 = arith.select %and3A_276, %sub3A_278, %div3A_257 : i32
      %mul3A_280 = arith.constant 1280 : i32
      %mul3A_281 = arith.muli %select_n3A_279, %mul3A_280 : i32
      %dma_start3A_282 = tpu.memref_slice %arg4[%add3A_255, %mul3A_281] : memref<4096x6400xf32, #tpu.memory_space<hbm>> -> memref<32x1280xf32, #tpu.memory_space<hbm>>
      %dma_start3A_283 = tpu.memref_slice %arg4[%add3A_255, %mul3A_281] : memref<4096x6400xf32, #tpu.memory_space<hbm>> -> memref<32x1280xf32, #tpu.memory_space<hbm>>
      tpu.enqueue_dma source(%arg7 : memref<32x1280xf32, #tpu.memory_space<vmem>>) target(%dma_start3A_283 : memref<32x1280xf32, #tpu.memory_space<hbm>>) target_semaphore(%arg11 : memref<!tpu.dma_semaphore, #tpu.memory_space<semaphore_mem>>)
      %add3A_284 = arith.constant 2 : i32
      %add3A_285 = arith.addi %mul3A_185, %add3A_284 : i32
      %lt3A_286 = arith.constant 20 : i32
      %lt3A_287 = arith.cmpi slt, %add3A_285, %lt3A_286 : i32
      %convert_element_type3A = arith.extui %lt3A_287 : i1 to i32
      %cond3A = arith.constant 0 : i32
      %cond3A_288 = arith.cmpi ne, %convert_element_type3A, %cond3A : i32
      scf.if %cond3A_288 {
        %dma_wait3A_296 = arith.constant 0 : i32
        %dma_wait3A_297 = arith.constant 0 : i32
        %dma_wait3A_298 = tpu.memref_slice %arg4[%dma_wait3A_296, %dma_wait3A_297] : memref<4096x6400xf32, #tpu.memory_space<hbm>> -> memref<32x1280xf32, #tpu.memory_space<hbm>>
        %dma_wait3A_299 = arith.constant 0 : i32
        %dma_wait3A_300 = arith.constant 0 : i32
        %dma_wait3A_301 = tpu.memref_slice %arg4[%dma_wait3A_299, %dma_wait3A_300] : memref<4096x6400xf32, #tpu.memory_space<hbm>> -> memref<32x1280xf32, #tpu.memory_space<hbm>>
        tpu.wait_dma2 semaphore(%arg10 : memref<!tpu.dma_semaphore, #tpu.memory_space<semaphore_mem>>) src(%dma_wait3A_301 : memref<32x1280xf32, #tpu.memory_space<hbm>>) dst(%arg6 : memref<32x1280xf32, #tpu.memory_space<vmem>>)
        %add3A_302 = arith.constant 2 : i32
        %add3A_303 = arith.addi %mul3A_185, %add3A_302 : i32
        %jit3A_304 = arith.constant 4 : i32
        %div3A_305 = arith.divsi %add3A_303, %jit3A_304 : i32
        %sign3A_306 = arith.constant 0 : i32
        %sign3A_307 = arith.cmpi sgt, %add3A_303, %sign3A_306 : i32
        %sign3A_308 = arith.extui %sign3A_307 : i1 to i32
        %sign3A_309 = arith.constant 0 : i32
        %sign3A_310 = arith.cmpi slt, %add3A_303, %sign3A_309 : i32
        %sign3A_311 = arith.extui %sign3A_310 : i1 to i32
        %sign3A_312 = arith.subi %sign3A_308, %sign3A_311 : i32
        %sign3A_313 = arith.constant 0 : i32
        %sign3A_314 = arith.cmpi sgt, %jit3A_304, %sign3A_313 : i32
        %sign3A_315 = arith.extui %sign3A_314 : i1 to i32
        %sign3A_316 = arith.constant 0 : i32
        %sign3A_317 = arith.cmpi slt, %jit3A_304, %sign3A_316 : i32
        %sign3A_318 = arith.extui %sign3A_317 : i1 to i32
        %sign3A_319 = arith.subi %sign3A_315, %sign3A_318 : i32
        %ne3A_320 = arith.cmpi ne, %sign3A_312, %sign3A_319 : i32
        %rem3A_321 = arith.remsi %add3A_303, %jit3A_304 : i32
        %ne3A_322 = arith.constant 0 : i32
        %ne3A_323 = arith.cmpi ne, %rem3A_321, %ne3A_322 : i32
        %and3A_324 = arith.andi %ne3A_320, %ne3A_323 : i1
        %sub3A_325 = arith.constant 1 : i32
        %sub3A_326 = arith.subi %div3A_305, %sub3A_325 : i32
        %select_n3A_327 = arith.select %and3A_324, %sub3A_326, %div3A_305 : i32
        %mul3A_328 = arith.constant 128 : i32
        %mul3A_329 = arith.muli %select_n3A_327, %mul3A_328 : i32
        %jit3A_330 = arith.constant 4 : i32
        %eq3A_331 = arith.constant 0 : i32
        %eq3A_332 = arith.cmpi eq, %jit3A_330, %eq3A_331 : i32
        %jit3A_333 = arith.constant 1 : i32
        %select_n3A_334 = arith.select %eq3A_332, %jit3A_333, %jit3A_330 : i32
        %rem3A_335 = arith.remsi %add3A_303, %select_n3A_334 : i32
        %ne3A_336 = arith.constant 0 : i32
        %ne3A_337 = arith.cmpi ne, %rem3A_335, %ne3A_336 : i32
        %lt3A_338 = arith.constant 0 : i32
        %lt3A_339 = arith.cmpi slt, %rem3A_335, %lt3A_338 : i32
        %lt3A_340 = arith.constant 0 : i32
        %lt3A_341 = arith.cmpi slt, %select_n3A_334, %lt3A_340 : i32
        %ne3A_342 = arith.xori %lt3A_339, %lt3A_341 : i1
        %and3A_343 = arith.andi %ne3A_342, %ne3A_337 : i1
        %add3A_344 = arith.addi %rem3A_335, %select_n3A_334 : i32
        %select_n3A_345 = arith.select %and3A_343, %add3A_344, %rem3A_335 : i32
        %mul3A_346 = arith.constant 32 : i32
        %mul3A_347 = arith.muli %select_n3A_345, %mul3A_346 : i32
        %add3A_348 = arith.addi %mul3A_329, %mul3A_347 : i32
        %add3A_349 = arith.constant 0 : i32
        %add3A_350 = arith.addi %add3A_349, %add3A_348 : i32
        %dma_start3A_351 = arith.constant 0 : i32
        %dma_start3A_352 = arith.constant 0 : i32
        %dma_start3A_353 = tpu.memref_slice %arg6[%dma_start3A_351, %dma_start3A_352] : memref<32x1280xf32, #tpu.memory_space<vmem>> -> memref<32x128xf32, #tpu.memory_space<vmem>>
        %dma_start3A_354 = tpu.memref_slice %arg5[%add3A_350] : memref<6400xi32, #tpu.memory_space<vmem>> -> memref<32xi32, #tpu.memory_space<vmem>>
        %dma_start3A_355 = arith.constant 0 : i32
        %dma_start3A_356 = arith.constant 0 : i32
        %dma_start3A_357 = tpu.memref_slice %arg2[%dma_start3A_355, %dma_start3A_356] : memref<100000x128xf32, #tpu.memory_space<hbm>> -> memref<100000x128xf32, #tpu.memory_space<hbm>>
        tpu.enqueue_indirect_dma source(%dma_start3A_357 : memref<100000x128xf32, #tpu.memory_space<hbm>>) target(%dma_start3A_353 : memref<32x128xf32, #tpu.memory_space<vmem>>) offsets(%dma_start3A_354 : memref<32xi32, #tpu.memory_space<vmem>>) semaphore(%arg8 : memref<!tpu.dma_semaphore, #tpu.memory_space<semaphore_mem>>)
        %add3A_358 = arith.constant 640 : i32
        %add3A_359 = arith.addi %add3A_358, %add3A_348 : i32
        %dma_start3A_360 = arith.constant 0 : i32
        %dma_start3A_361 = arith.constant 128 : i32
        %dma_start3A_362 = tpu.memref_slice %arg6[%dma_start3A_360, %dma_start3A_361] : memref<32x1280xf32, #tpu.memory_space<vmem>> -> memref<32x128xf32, #tpu.memory_space<vmem>>
        %dma_start3A_363 = tpu.memref_slice %arg5[%add3A_359] : memref<6400xi32, #tpu.memory_space<vmem>> -> memref<32xi32, #tpu.memory_space<vmem>>
        %dma_start3A_364 = arith.constant 0 : i32
        %dma_start3A_365 = arith.constant 0 : i32
        %dma_start3A_366 = tpu.memref_slice %arg2[%dma_start3A_364, %dma_start3A_365] : memref<100000x128xf32, #tpu.memory_space<hbm>> -> memref<100000x128xf32, #tpu.memory_space<hbm>>
        tpu.enqueue_indirect_dma source(%dma_start3A_366 : memref<100000x128xf32, #tpu.memory_space<hbm>>) target(%dma_start3A_362 : memref<32x128xf32, #tpu.memory_space<vmem>>) offsets(%dma_start3A_363 : memref<32xi32, #tpu.memory_space<vmem>>) semaphore(%arg8 : memref<!tpu.dma_semaphore, #tpu.memory_space<semaphore_mem>>)
        %add3A_367 = arith.constant 1280 : i32
        %add3A_368 = arith.addi %add3A_367, %add3A_348 : i32
        %dma_start3A_369 = arith.constant 0 : i32
        %dma_start3A_370 = arith.constant 256 : i32
        %dma_start3A_371 = tpu.memref_slice %arg6[%dma_start3A_369, %dma_start3A_370] : memref<32x1280xf32, #tpu.memory_space<vmem>> -> memref<32x128xf32, #tpu.memory_space<vmem>>
        %dma_start3A_372 = tpu.memref_slice %arg5[%add3A_368] : memref<6400xi32, #tpu.memory_space<vmem>> -> memref<32xi32, #tpu.memory_space<vmem>>
        %dma_start3A_373 = arith.constant 0 : i32
        %dma_start3A_374 = arith.constant 0 : i32
        %dma_start3A_375 = tpu.memref_slice %arg2[%dma_start3A_373, %dma_start3A_374] : memref<100000x128xf32, #tpu.memory_space<hbm>> -> memref<100000x128xf32, #tpu.memory_space<hbm>>
        tpu.enqueue_indirect_dma source(%dma_start3A_375 : memref<100000x128xf32, #tpu.memory_space<hbm>>) target(%dma_start3A_371 : memref<32x128xf32, #tpu.memory_space<vmem>>) offsets(%dma_start3A_372 : memref<32xi32, #tpu.memory_space<vmem>>) semaphore(%arg8 : memref<!tpu.dma_semaphore, #tpu.memory_space<semaphore_mem>>)
        %add3A_376 = arith.constant 1920 : i32
        %add3A_377 = arith.addi %add3A_376, %add3A_348 : i32
        %dma_start3A_378 = arith.constant 0 : i32
        %dma_start3A_379 = arith.constant 384 : i32
        %dma_start3A_380 = tpu.memref_slice %arg6[%dma_start3A_378, %dma_start3A_379] : memref<32x1280xf32, #tpu.memory_space<vmem>> -> memref<32x128xf32, #tpu.memory_space<vmem>>
        %dma_start3A_381 = tpu.memref_slice %arg5[%add3A_377] : memref<6400xi32, #tpu.memory_space<vmem>> -> memref<32xi32, #tpu.memory_space<vmem>>
        %dma_start3A_382 = arith.constant 0 : i32
        %dma_start3A_383 = arith.constant 0 : i32
        %dma_start3A_384 = tpu.memref_slice %arg2[%dma_start3A_382, %dma_start3A_383] : memref<100000x128xf32, #tpu.memory_space<hbm>> -> memref<100000x128xf32, #tpu.memory_space<hbm>>
        tpu.enqueue_indirect_dma source(%dma_start3A_384 : memref<100000x128xf32, #tpu.memory_space<hbm>>) target(%dma_start3A_380 : memref<32x128xf32, #tpu.memory_space<vmem>>) offsets(%dma_start3A_381 : memref<32xi32, #tpu.memory_space<vmem>>) semaphore(%arg8 : memref<!tpu.dma_semaphore, #tpu.memory_space<semaphore_mem>>)
        %add3A_385 = arith.constant 2560 : i32
        %add3A_386 = arith.addi %add3A_385, %add3A_348 : i32
        %dma_start3A_387 = arith.constant 0 : i32
        %dma_start3A_388 = arith.constant 512 : i32
        %dma_start3A_389 = tpu.memref_slice %arg6[%dma_start3A_387, %dma_start3A_388] : memref<32x1280xf32, #tpu.memory_space<vmem>> -> memref<32x128xf32, #tpu.memory_space<vmem>>
        %dma_start3A_390 = tpu.memref_slice %arg5[%add3A_386] : memref<6400xi32, #tpu.memory_space<vmem>> -> memref<32xi32, #tpu.memory_space<vmem>>
        %dma_start3A_391 = arith.constant 0 : i32
        %dma_start3A_392 = arith.constant 0 : i32
        %dma_start3A_393 = tpu.memref_slice %arg2[%dma_start3A_391, %dma_start3A_392] : memref<100000x128xf32, #tpu.memory_space<hbm>> -> memref<100000x128xf32, #tpu.memory_space<hbm>>
        tpu.enqueue_indirect_dma source(%dma_start3A_393 : memref<100000x128xf32, #tpu.memory_space<hbm>>) target(%dma_start3A_389 : memref<32x128xf32, #tpu.memory_space<vmem>>) offsets(%dma_start3A_390 : memref<32xi32, #tpu.memory_space<vmem>>) semaphore(%arg8 : memref<!tpu.dma_semaphore, #tpu.memory_space<semaphore_mem>>)
        %add3A_394 = arith.constant 3200 : i32
        %add3A_395 = arith.addi %add3A_394, %add3A_348 : i32
        %dma_start3A_396 = arith.constant 0 : i32
        %dma_start3A_397 = arith.constant 640 : i32
        %dma_start3A_398 = tpu.memref_slice %arg6[%dma_start3A_396, %dma_start3A_397] : memref<32x1280xf32, #tpu.memory_space<vmem>> -> memref<32x128xf32, #tpu.memory_space<vmem>>
        %dma_start3A_399 = tpu.memref_slice %arg5[%add3A_395] : memref<6400xi32, #tpu.memory_space<vmem>> -> memref<32xi32, #tpu.memory_space<vmem>>
        %dma_start3A_400 = arith.constant 0 : i32
        %dma_start3A_401 = arith.constant 0 : i32
        %dma_start3A_402 = tpu.memref_slice %arg2[%dma_start3A_400, %dma_start3A_401] : memref<100000x128xf32, #tpu.memory_space<hbm>> -> memref<100000x128xf32, #tpu.memory_space<hbm>>
        tpu.enqueue_indirect_dma source(%dma_start3A_402 : memref<100000x128xf32, #tpu.memory_space<hbm>>) target(%dma_start3A_398 : memref<32x128xf32, #tpu.memory_space<vmem>>) offsets(%dma_start3A_399 : memref<32xi32, #tpu.memory_space<vmem>>) semaphore(%arg8 : memref<!tpu.dma_semaphore, #tpu.memory_space<semaphore_mem>>)
        %add3A_403 = arith.constant 3840 : i32
        %add3A_404 = arith.addi %add3A_403, %add3A_348 : i32
        %dma_start3A_405 = arith.constant 0 : i32
        %dma_start3A_406 = arith.constant 768 : i32
        %dma_start3A_407 = tpu.memref_slice %arg6[%dma_start3A_405, %dma_start3A_406] : memref<32x1280xf32, #tpu.memory_space<vmem>> -> memref<32x128xf32, #tpu.memory_space<vmem>>
        %dma_start3A_408 = tpu.memref_slice %arg5[%add3A_404] : memref<6400xi32, #tpu.memory_space<vmem>> -> memref<32xi32, #tpu.memory_space<vmem>>
        %dma_start3A_409 = arith.constant 0 : i32
        %dma_start3A_410 = arith.constant 0 : i32
        %dma_start3A_411 = tpu.memref_slice %arg2[%dma_start3A_409, %dma_start3A_410] : memref<100000x128xf32, #tpu.memory_space<hbm>> -> memref<100000x128xf32, #tpu.memory_space<hbm>>
        tpu.enqueue_indirect_dma source(%dma_start3A_411 : memref<100000x128xf32, #tpu.memory_space<hbm>>) target(%dma_start3A_407 : memref<32x128xf32, #tpu.memory_space<vmem>>) offsets(%dma_start3A_408 : memref<32xi32, #tpu.memory_space<vmem>>) semaphore(%arg8 : memref<!tpu.dma_semaphore, #tpu.memory_space<semaphore_mem>>)
        %add3A_412 = arith.constant 4480 : i32
        %add3A_413 = arith.addi %add3A_412, %add3A_348 : i32
        %dma_start3A_414 = arith.constant 0 : i32
        %dma_start3A_415 = arith.constant 896 : i32
        %dma_start3A_416 = tpu.memref_slice %arg6[%dma_start3A_414, %dma_start3A_415] : memref<32x1280xf32, #tpu.memory_space<vmem>> -> memref<32x128xf32, #tpu.memory_space<vmem>>
        %dma_start3A_417 = tpu.memref_slice %arg5[%add3A_413] : memref<6400xi32, #tpu.memory_space<vmem>> -> memref<32xi32, #tpu.memory_space<vmem>>
        %dma_start3A_418 = arith.constant 0 : i32
        %dma_start3A_419 = arith.constant 0 : i32
        %dma_start3A_420 = tpu.memref_slice %arg2[%dma_start3A_418, %dma_start3A_419] : memref<100000x128xf32, #tpu.memory_space<hbm>> -> memref<100000x128xf32, #tpu.memory_space<hbm>>
        tpu.enqueue_indirect_dma source(%dma_start3A_420 : memref<100000x128xf32, #tpu.memory_space<hbm>>) target(%dma_start3A_416 : memref<32x128xf32, #tpu.memory_space<vmem>>) offsets(%dma_start3A_417 : memref<32xi32, #tpu.memory_space<vmem>>) semaphore(%arg8 : memref<!tpu.dma_semaphore, #tpu.memory_space<semaphore_mem>>)
        %add3A_421 = arith.constant 5120 : i32
        %add3A_422 = arith.addi %add3A_421, %add3A_348 : i32
        %dma_start3A_423 = arith.constant 0 : i32
        %dma_start3A_424 = arith.constant 1024 : i32
        %dma_start3A_425 = tpu.memref_slice %arg6[%dma_start3A_423, %dma_start3A_424] : memref<32x1280xf32, #tpu.memory_space<vmem>> -> memref<32x128xf32, #tpu.memory_space<vmem>>
        %dma_start3A_426 = tpu.memref_slice %arg5[%add3A_422] : memref<6400xi32, #tpu.memory_space<vmem>> -> memref<32xi32, #tpu.memory_space<vmem>>
        %dma_start3A_427 = arith.constant 0 : i32
        %dma_start3A_428 = arith.constant 0 : i32
        %dma_start3A_429 = tpu.memref_slice %arg2[%dma_start3A_427, %dma_start3A_428] : memref<100000x128xf32, #tpu.memory_space<hbm>> -> memref<100000x128xf32, #tpu.memory_space<hbm>>
        tpu.enqueue_indirect_dma source(%dma_start3A_429 : memref<100000x128xf32, #tpu.memory_space<hbm>>) target(%dma_start3A_425 : memref<32x128xf32, #tpu.memory_space<vmem>>) offsets(%dma_start3A_426 : memref<32xi32, #tpu.memory_space<vmem>>) semaphore(%arg8 : memref<!tpu.dma_semaphore, #tpu.memory_space<semaphore_mem>>)
        %add3A_430 = arith.constant 5760 : i32
        %add3A_431 = arith.addi %add3A_430, %add3A_348 : i32
        %dma_start3A_432 = arith.constant 0 : i32
        %dma_start3A_433 = arith.constant 1152 : i32
        %dma_start3A_434 = tpu.memref_slice %arg6[%dma_start3A_432, %dma_start3A_433] : memref<32x1280xf32, #tpu.memory_space<vmem>> -> memref<32x128xf32, #tpu.memory_space<vmem>>
        %dma_start3A_435 = tpu.memref_slice %arg5[%add3A_431] : memref<6400xi32, #tpu.memory_space<vmem>> -> memref<32xi32, #tpu.memory_space<vmem>>
        %dma_start3A_436 = arith.constant 0 : i32
        %dma_start3A_437 = arith.constant 0 : i32
        %dma_start3A_438 = tpu.memref_slice %arg2[%dma_start3A_436, %dma_start3A_437] : memref<100000x128xf32, #tpu.memory_space<hbm>> -> memref<100000x128xf32, #tpu.memory_space<hbm>>
        tpu.enqueue_indirect_dma source(%dma_start3A_438 : memref<100000x128xf32, #tpu.memory_space<hbm>>) target(%dma_start3A_434 : memref<32x128xf32, #tpu.memory_space<vmem>>) offsets(%dma_start3A_435 : memref<32xi32, #tpu.memory_space<vmem>>) semaphore(%arg8 : memref<!tpu.dma_semaphore, #tpu.memory_space<semaphore_mem>>)
      } else {
      }
      %add3A_289 = arith.constant 2 : i32
      %add3A_290 = arith.addi %add3A_187, %add3A_289 : i32
      %lt3A_291 = arith.constant 20 : i32
      %lt3A_292 = arith.cmpi slt, %add3A_290, %lt3A_291 : i32
      %convert_element_type3A_293 = arith.extui %lt3A_292 : i1 to i32
      %cond3A_294 = arith.constant 0 : i32
      %cond3A_295 = arith.cmpi ne, %convert_element_type3A_293, %cond3A_294 : i32
      scf.if %cond3A_295 {
        %dma_wait3A_296 = arith.constant 0 : i32
        %dma_wait3A_297 = arith.constant 0 : i32
        %dma_wait3A_298 = tpu.memref_slice %arg4[%dma_wait3A_296, %dma_wait3A_297] : memref<4096x6400xf32, #tpu.memory_space<hbm>> -> memref<32x1280xf32, #tpu.memory_space<hbm>>
        %dma_wait3A_299 = arith.constant 0 : i32
        %dma_wait3A_300 = arith.constant 0 : i32
        %dma_wait3A_301 = tpu.memref_slice %arg4[%dma_wait3A_299, %dma_wait3A_300] : memref<4096x6400xf32, #tpu.memory_space<hbm>> -> memref<32x1280xf32, #tpu.memory_space<hbm>>
        tpu.wait_dma2 semaphore(%arg11 : memref<!tpu.dma_semaphore, #tpu.memory_space<semaphore_mem>>) src(%dma_wait3A_301 : memref<32x1280xf32, #tpu.memory_space<hbm>>) dst(%arg7 : memref<32x1280xf32, #tpu.memory_space<vmem>>)
        %add3A_302 = arith.constant 2 : i32
        %add3A_303 = arith.addi %add3A_187, %add3A_302 : i32
        %jit3A_304 = arith.constant 4 : i32
        %div3A_305 = arith.divsi %add3A_303, %jit3A_304 : i32
        %sign3A_306 = arith.constant 0 : i32
        %sign3A_307 = arith.cmpi sgt, %add3A_303, %sign3A_306 : i32
        %sign3A_308 = arith.extui %sign3A_307 : i1 to i32
        %sign3A_309 = arith.constant 0 : i32
        %sign3A_310 = arith.cmpi slt, %add3A_303, %sign3A_309 : i32
        %sign3A_311 = arith.extui %sign3A_310 : i1 to i32
        %sign3A_312 = arith.subi %sign3A_308, %sign3A_311 : i32
        %sign3A_313 = arith.constant 0 : i32
        %sign3A_314 = arith.cmpi sgt, %jit3A_304, %sign3A_313 : i32
        %sign3A_315 = arith.extui %sign3A_314 : i1 to i32
        %sign3A_316 = arith.constant 0 : i32
        %sign3A_317 = arith.cmpi slt, %jit3A_304, %sign3A_316 : i32
        %sign3A_318 = arith.extui %sign3A_317 : i1 to i32
        %sign3A_319 = arith.subi %sign3A_315, %sign3A_318 : i32
        %ne3A_320 = arith.cmpi ne, %sign3A_312, %sign3A_319 : i32
        %rem3A_321 = arith.remsi %add3A_303, %jit3A_304 : i32
        %ne3A_322 = arith.constant 0 : i32
        %ne3A_323 = arith.cmpi ne, %rem3A_321, %ne3A_322 : i32
        %and3A_324 = arith.andi %ne3A_320, %ne3A_323 : i1
        %sub3A_325 = arith.constant 1 : i32
        %sub3A_326 = arith.subi %div3A_305, %sub3A_325 : i32
        %select_n3A_327 = arith.select %and3A_324, %sub3A_326, %div3A_305 : i32
        %mul3A_328 = arith.constant 128 : i32
        %mul3A_329 = arith.muli %select_n3A_327, %mul3A_328 : i32
        %jit3A_330 = arith.constant 4 : i32
        %eq3A_331 = arith.constant 0 : i32
        %eq3A_332 = arith.cmpi eq, %jit3A_330, %eq3A_331 : i32
        %jit3A_333 = arith.constant 1 : i32
        %select_n3A_334 = arith.select %eq3A_332, %jit3A_333, %jit3A_330 : i32
        %rem3A_335 = arith.remsi %add3A_303, %select_n3A_334 : i32
        %ne3A_336 = arith.constant 0 : i32
        %ne3A_337 = arith.cmpi ne, %rem3A_335, %ne3A_336 : i32
        %lt3A_338 = arith.constant 0 : i32
        %lt3A_339 = arith.cmpi slt, %rem3A_335, %lt3A_338 : i32
        %lt3A_340 = arith.constant 0 : i32
        %lt3A_341 = arith.cmpi slt, %select_n3A_334, %lt3A_340 : i32
        %ne3A_342 = arith.xori %lt3A_339, %lt3A_341 : i1
        %and3A_343 = arith.andi %ne3A_342, %ne3A_337 : i1
        %add3A_344 = arith.addi %rem3A_335, %select_n3A_334 : i32
        %select_n3A_345 = arith.select %and3A_343, %add3A_344, %rem3A_335 : i32
        %mul3A_346 = arith.constant 32 : i32
        %mul3A_347 = arith.muli %select_n3A_345, %mul3A_346 : i32
        %add3A_348 = arith.addi %mul3A_329, %mul3A_347 : i32
        %add3A_349 = arith.constant 0 : i32
        %add3A_350 = arith.addi %add3A_349, %add3A_348 : i32
        %dma_start3A_351 = arith.constant 0 : i32
        %dma_start3A_352 = arith.constant 0 : i32
        %dma_start3A_353 = tpu.memref_slice %arg7[%dma_start3A_351, %dma_start3A_352] : memref<32x1280xf32, #tpu.memory_space<vmem>> -> memref<32x128xf32, #tpu.memory_space<vmem>>
        %dma_start3A_354 = tpu.memref_slice %arg5[%add3A_350] : memref<6400xi32, #tpu.memory_space<vmem>> -> memref<32xi32, #tpu.memory_space<vmem>>
        %dma_start3A_355 = arith.constant 0 : i32
        %dma_start3A_356 = arith.constant 0 : i32
        %dma_start3A_357 = tpu.memref_slice %arg2[%dma_start3A_355, %dma_start3A_356] : memref<100000x128xf32, #tpu.memory_space<hbm>> -> memref<100000x128xf32, #tpu.memory_space<hbm>>
        tpu.enqueue_indirect_dma source(%dma_start3A_357 : memref<100000x128xf32, #tpu.memory_space<hbm>>) target(%dma_start3A_353 : memref<32x128xf32, #tpu.memory_space<vmem>>) offsets(%dma_start3A_354 : memref<32xi32, #tpu.memory_space<vmem>>) semaphore(%arg9 : memref<!tpu.dma_semaphore, #tpu.memory_space<semaphore_mem>>)
        %add3A_358 = arith.constant 640 : i32
        %add3A_359 = arith.addi %add3A_358, %add3A_348 : i32
        %dma_start3A_360 = arith.constant 0 : i32
        %dma_start3A_361 = arith.constant 128 : i32
        %dma_start3A_362 = tpu.memref_slice %arg7[%dma_start3A_360, %dma_start3A_361] : memref<32x1280xf32, #tpu.memory_space<vmem>> -> memref<32x128xf32, #tpu.memory_space<vmem>>
        %dma_start3A_363 = tpu.memref_slice %arg5[%add3A_359] : memref<6400xi32, #tpu.memory_space<vmem>> -> memref<32xi32, #tpu.memory_space<vmem>>
        %dma_start3A_364 = arith.constant 0 : i32
        %dma_start3A_365 = arith.constant 0 : i32
        %dma_start3A_366 = tpu.memref_slice %arg2[%dma_start3A_364, %dma_start3A_365] : memref<100000x128xf32, #tpu.memory_space<hbm>> -> memref<100000x128xf32, #tpu.memory_space<hbm>>
        tpu.enqueue_indirect_dma source(%dma_start3A_366 : memref<100000x128xf32, #tpu.memory_space<hbm>>) target(%dma_start3A_362 : memref<32x128xf32, #tpu.memory_space<vmem>>) offsets(%dma_start3A_363 : memref<32xi32, #tpu.memory_space<vmem>>) semaphore(%arg9 : memref<!tpu.dma_semaphore, #tpu.memory_space<semaphore_mem>>)
        %add3A_367 = arith.constant 1280 : i32
        %add3A_368 = arith.addi %add3A_367, %add3A_348 : i32
        %dma_start3A_369 = arith.constant 0 : i32
        %dma_start3A_370 = arith.constant 256 : i32
        %dma_start3A_371 = tpu.memref_slice %arg7[%dma_start3A_369, %dma_start3A_370] : memref<32x1280xf32, #tpu.memory_space<vmem>> -> memref<32x128xf32, #tpu.memory_space<vmem>>
        %dma_start3A_372 = tpu.memref_slice %arg5[%add3A_368] : memref<6400xi32, #tpu.memory_space<vmem>> -> memref<32xi32, #tpu.memory_space<vmem>>
        %dma_start3A_373 = arith.constant 0 : i32
        %dma_start3A_374 = arith.constant 0 : i32
        %dma_start3A_375 = tpu.memref_slice %arg2[%dma_start3A_373, %dma_start3A_374] : memref<100000x128xf32, #tpu.memory_space<hbm>> -> memref<100000x128xf32, #tpu.memory_space<hbm>>
        tpu.enqueue_indirect_dma source(%dma_start3A_375 : memref<100000x128xf32, #tpu.memory_space<hbm>>) target(%dma_start3A_371 : memref<32x128xf32, #tpu.memory_space<vmem>>) offsets(%dma_start3A_372 : memref<32xi32, #tpu.memory_space<vmem>>) semaphore(%arg9 : memref<!tpu.dma_semaphore, #tpu.memory_space<semaphore_mem>>)
        %add3A_376 = arith.constant 1920 : i32
        %add3A_377 = arith.addi %add3A_376, %add3A_348 : i32
        %dma_start3A_378 = arith.constant 0 : i32
        %dma_start3A_379 = arith.constant 384 : i32
        %dma_start3A_380 = tpu.memref_slice %arg7[%dma_start3A_378, %dma_start3A_379] : memref<32x1280xf32, #tpu.memory_space<vmem>> -> memref<32x128xf32, #tpu.memory_space<vmem>>
        %dma_start3A_381 = tpu.memref_slice %arg5[%add3A_377] : memref<6400xi32, #tpu.memory_space<vmem>> -> memref<32xi32, #tpu.memory_space<vmem>>
        %dma_start3A_382 = arith.constant 0 : i32
        %dma_start3A_383 = arith.constant 0 : i32
        %dma_start3A_384 = tpu.memref_slice %arg2[%dma_start3A_382, %dma_start3A_383] : memref<100000x128xf32, #tpu.memory_space<hbm>> -> memref<100000x128xf32, #tpu.memory_space<hbm>>
        tpu.enqueue_indirect_dma source(%dma_start3A_384 : memref<100000x128xf32, #tpu.memory_space<hbm>>) target(%dma_start3A_380 : memref<32x128xf32, #tpu.memory_space<vmem>>) offsets(%dma_start3A_381 : memref<32xi32, #tpu.memory_space<vmem>>) semaphore(%arg9 : memref<!tpu.dma_semaphore, #tpu.memory_space<semaphore_mem>>)
        %add3A_385 = arith.constant 2560 : i32
        %add3A_386 = arith.addi %add3A_385, %add3A_348 : i32
        %dma_start3A_387 = arith.constant 0 : i32
        %dma_start3A_388 = arith.constant 512 : i32
        %dma_start3A_389 = tpu.memref_slice %arg7[%dma_start3A_387, %dma_start3A_388] : memref<32x1280xf32, #tpu.memory_space<vmem>> -> memref<32x128xf32, #tpu.memory_space<vmem>>
        %dma_start3A_390 = tpu.memref_slice %arg5[%add3A_386] : memref<6400xi32, #tpu.memory_space<vmem>> -> memref<32xi32, #tpu.memory_space<vmem>>
        %dma_start3A_391 = arith.constant 0 : i32
        %dma_start3A_392 = arith.constant 0 : i32
        %dma_start3A_393 = tpu.memref_slice %arg2[%dma_start3A_391, %dma_start3A_392] : memref<100000x128xf32, #tpu.memory_space<hbm>> -> memref<100000x128xf32, #tpu.memory_space<hbm>>
        tpu.enqueue_indirect_dma source(%dma_start3A_393 : memref<100000x128xf32, #tpu.memory_space<hbm>>) target(%dma_start3A_389 : memref<32x128xf32, #tpu.memory_space<vmem>>) offsets(%dma_start3A_390 : memref<32xi32, #tpu.memory_space<vmem>>) semaphore(%arg9 : memref<!tpu.dma_semaphore, #tpu.memory_space<semaphore_mem>>)
        %add3A_394 = arith.constant 3200 : i32
        %add3A_395 = arith.addi %add3A_394, %add3A_348 : i32
        %dma_start3A_396 = arith.constant 0 : i32
        %dma_start3A_397 = arith.constant 640 : i32
        %dma_start3A_398 = tpu.memref_slice %arg7[%dma_start3A_396, %dma_start3A_397] : memref<32x1280xf32, #tpu.memory_space<vmem>> -> memref<32x128xf32, #tpu.memory_space<vmem>>
        %dma_start3A_399 = tpu.memref_slice %arg5[%add3A_395] : memref<6400xi32, #tpu.memory_space<vmem>> -> memref<32xi32, #tpu.memory_space<vmem>>
        %dma_start3A_400 = arith.constant 0 : i32
        %dma_start3A_401 = arith.constant 0 : i32
        %dma_start3A_402 = tpu.memref_slice %arg2[%dma_start3A_400, %dma_start3A_401] : memref<100000x128xf32, #tpu.memory_space<hbm>> -> memref<100000x128xf32, #tpu.memory_space<hbm>>
        tpu.enqueue_indirect_dma source(%dma_start3A_402 : memref<100000x128xf32, #tpu.memory_space<hbm>>) target(%dma_start3A_398 : memref<32x128xf32, #tpu.memory_space<vmem>>) offsets(%dma_start3A_399 : memref<32xi32, #tpu.memory_space<vmem>>) semaphore(%arg9 : memref<!tpu.dma_semaphore, #tpu.memory_space<semaphore_mem>>)
        %add3A_403 = arith.constant 3840 : i32
        %add3A_404 = arith.addi %add3A_403, %add3A_348 : i32
        %dma_start3A_405 = arith.constant 0 : i32
        %dma_start3A_406 = arith.constant 768 : i32
        %dma_start3A_407 = tpu.memref_slice %arg7[%dma_start3A_405, %dma_start3A_406] : memref<32x1280xf32, #tpu.memory_space<vmem>> -> memref<32x128xf32, #tpu.memory_space<vmem>>
        %dma_start3A_408 = tpu.memref_slice %arg5[%add3A_404] : memref<6400xi32, #tpu.memory_space<vmem>> -> memref<32xi32, #tpu.memory_space<vmem>>
        %dma_start3A_409 = arith.constant 0 : i32
        %dma_start3A_410 = arith.constant 0 : i32
        %dma_start3A_411 = tpu.memref_slice %arg2[%dma_start3A_409, %dma_start3A_410] : memref<100000x128xf32, #tpu.memory_space<hbm>> -> memref<100000x128xf32, #tpu.memory_space<hbm>>
        tpu.enqueue_indirect_dma source(%dma_start3A_411 : memref<100000x128xf32, #tpu.memory_space<hbm>>) target(%dma_start3A_407 : memref<32x128xf32, #tpu.memory_space<vmem>>) offsets(%dma_start3A_408 : memref<32xi32, #tpu.memory_space<vmem>>) semaphore(%arg9 : memref<!tpu.dma_semaphore, #tpu.memory_space<semaphore_mem>>)
        %add3A_412 = arith.constant 4480 : i32
        %add3A_413 = arith.addi %add3A_412, %add3A_348 : i32
        %dma_start3A_414 = arith.constant 0 : i32
        %dma_start3A_415 = arith.constant 896 : i32
        %dma_start3A_416 = tpu.memref_slice %arg7[%dma_start3A_414, %dma_start3A_415] : memref<32x1280xf32, #tpu.memory_space<vmem>> -> memref<32x128xf32, #tpu.memory_space<vmem>>
        %dma_start3A_417 = tpu.memref_slice %arg5[%add3A_413] : memref<6400xi32, #tpu.memory_space<vmem>> -> memref<32xi32, #tpu.memory_space<vmem>>
        %dma_start3A_418 = arith.constant 0 : i32
        %dma_start3A_419 = arith.constant 0 : i32
        %dma_start3A_420 = tpu.memref_slice %arg2[%dma_start3A_418, %dma_start3A_419] : memref<100000x128xf32, #tpu.memory_space<hbm>> -> memref<100000x128xf32, #tpu.memory_space<hbm>>
        tpu.enqueue_indirect_dma source(%dma_start3A_420 : memref<100000x128xf32, #tpu.memory_space<hbm>>) target(%dma_start3A_416 : memref<32x128xf32, #tpu.memory_space<vmem>>) offsets(%dma_start3A_417 : memref<32xi32, #tpu.memory_space<vmem>>) semaphore(%arg9 : memref<!tpu.dma_semaphore, #tpu.memory_space<semaphore_mem>>)
        %add3A_421 = arith.constant 5120 : i32
        %add3A_422 = arith.addi %add3A_421, %add3A_348 : i32
        %dma_start3A_423 = arith.constant 0 : i32
        %dma_start3A_424 = arith.constant 1024 : i32
        %dma_start3A_425 = tpu.memref_slice %arg7[%dma_start3A_423, %dma_start3A_424] : memref<32x1280xf32, #tpu.memory_space<vmem>> -> memref<32x128xf32, #tpu.memory_space<vmem>>
        %dma_start3A_426 = tpu.memref_slice %arg5[%add3A_422] : memref<6400xi32, #tpu.memory_space<vmem>> -> memref<32xi32, #tpu.memory_space<vmem>>
        %dma_start3A_427 = arith.constant 0 : i32
        %dma_start3A_428 = arith.constant 0 : i32
        %dma_start3A_429 = tpu.memref_slice %arg2[%dma_start3A_427, %dma_start3A_428] : memref<100000x128xf32, #tpu.memory_space<hbm>> -> memref<100000x128xf32, #tpu.memory_space<hbm>>
        tpu.enqueue_indirect_dma source(%dma_start3A_429 : memref<100000x128xf32, #tpu.memory_space<hbm>>) target(%dma_start3A_425 : memref<32x128xf32, #tpu.memory_space<vmem>>) offsets(%dma_start3A_426 : memref<32xi32, #tpu.memory_space<vmem>>) semaphore(%arg9 : memref<!tpu.dma_semaphore, #tpu.memory_space<semaphore_mem>>)
        %add3A_430 = arith.constant 5760 : i32
        %add3A_431 = arith.addi %add3A_430, %add3A_348 : i32
        %dma_start3A_432 = arith.constant 0 : i32
        %dma_start3A_433 = arith.constant 1152 : i32
        %dma_start3A_434 = tpu.memref_slice %arg7[%dma_start3A_432, %dma_start3A_433] : memref<32x1280xf32, #tpu.memory_space<vmem>> -> memref<32x128xf32, #tpu.memory_space<vmem>>
        %dma_start3A_435 = tpu.memref_slice %arg5[%add3A_431] : memref<6400xi32, #tpu.memory_space<vmem>> -> memref<32xi32, #tpu.memory_space<vmem>>
        %dma_start3A_436 = arith.constant 0 : i32
        %dma_start3A_437 = arith.constant 0 : i32
        %dma_start3A_438 = tpu.memref_slice %arg2[%dma_start3A_436, %dma_start3A_437] : memref<100000x128xf32, #tpu.memory_space<hbm>> -> memref<100000x128xf32, #tpu.memory_space<hbm>>
        tpu.enqueue_indirect_dma source(%dma_start3A_438 : memref<100000x128xf32, #tpu.memory_space<hbm>>) target(%dma_start3A_434 : memref<32x128xf32, #tpu.memory_space<vmem>>) offsets(%dma_start3A_435 : memref<32xi32, #tpu.memory_space<vmem>>) semaphore(%arg9 : memref<!tpu.dma_semaphore, #tpu.memory_space<semaphore_mem>>)
      } else {
      }
    }
    %scan3A_167 = arith.constant 10 : i32
    %dma_wait3A = arith.constant 0 : i32
    %dma_wait3A_168 = arith.constant 0 : i32
    %dma_wait3A_169 = tpu.memref_slice %arg4[%dma_wait3A, %dma_wait3A_168] : memref<4096x6400xf32, #tpu.memory_space<hbm>> -> memref<32x1280xf32, #tpu.memory_space<hbm>>
    %dma_wait3A_170 = arith.constant 0 : i32
    %dma_wait3A_171 = arith.constant 0 : i32
    %dma_wait3A_172 = tpu.memref_slice %arg4[%dma_wait3A_170, %dma_wait3A_171] : memref<4096x6400xf32, #tpu.memory_space<hbm>> -> memref<32x1280xf32, #tpu.memory_space<hbm>>
    tpu.wait_dma2 semaphore(%arg10 : memref<!tpu.dma_semaphore, #tpu.memory_space<semaphore_mem>>) src(%dma_wait3A_172 : memref<32x1280xf32, #tpu.memory_space<hbm>>) dst(%arg6 : memref<32x1280xf32, #tpu.memory_space<vmem>>)
    %dma_wait3A_173 = arith.constant 0 : i32
    %dma_wait3A_174 = arith.constant 0 : i32
    %dma_wait3A_175 = tpu.memref_slice %arg4[%dma_wait3A_173, %dma_wait3A_174] : memref<4096x6400xf32, #tpu.memory_space<hbm>> -> memref<32x1280xf32, #tpu.memory_space<hbm>>
    %dma_wait3A_176 = arith.constant 0 : i32
    %dma_wait3A_177 = arith.constant 0 : i32
    %dma_wait3A_178 = tpu.memref_slice %arg4[%dma_wait3A_176, %dma_wait3A_177] : memref<4096x6400xf32, #tpu.memory_space<hbm>> -> memref<32x1280xf32, #tpu.memory_space<hbm>>
    tpu.wait_dma2 semaphore(%arg11 : memref<!tpu.dma_semaphore, #tpu.memory_space<semaphore_mem>>) src(%dma_wait3A_178 : memref<32x1280xf32, #tpu.memory_space<hbm>>) dst(%arg7 : memref<32x1280xf32, #tpu.memory_space<vmem>>)
    return
  }
}

module attributes {stable_mosaic.version = 14 : i64} {
  func.func @_mm_body(%arg0: i32, %arg1: memref<512x6400xf32, #tpu.memory_space<vmem>>, %arg2: memref<3200x512xbf16, #tpu.memory_space<vmem>>, %arg3: memref<1x512xf32, #tpu.memory_space<vmem>>, %arg4: memref<512x512xf32, #tpu.memory_space<vmem>>) attributes {dimension_semantics = [#tpu.dimension_semantics<arbitrary>], iteration_bounds = array<i64: 8>, scalar_prefetch = 0 : i64, scratch_operands = 0 : i64, tpu.core_type = #tpu.core_type<tc>, window_params = [{transform_indices = @transform_0, window_bounds = array<i64: 512, 6400>}, {pipeline_mode = #tpu.pipeline_mode<synchronous>, transform_indices = @transform_1, window_bounds = array<i64: 3200, 512>}, {pipeline_mode = #tpu.pipeline_mode<synchronous>, transform_indices = @transform_2, window_bounds = array<i64: 1, 512>}, {transform_indices = @transform_3, window_bounds = array<i64: 512, 512>}]} {
    %get3A = arith.constant 0 : index
    %get3A_0 = arith.constant 0 : index
    %get3A_1 = vector.load %arg1[%get3A, %get3A_0] : memref<512x6400xf32, #tpu.memory_space<vmem>>, vector<512x6400xf32>
    %convert_element_type3A = arith.truncf %get3A_1 : vector<512x6400xf32> to vector<512x6400xbf16>
    %reshape3A = vector.shape_cast %convert_element_type3A : vector<512x6400xbf16> to vector<512x50x128xbf16>
    %slice3A = vector.extract_strided_slice %reshape3A {offsets = [0, 0, 0], sizes = [512, 50, 64], strides = [1, 1, 1]} : vector<512x50x128xbf16> to vector<512x50x64xbf16>
    %reshape3A_2 = vector.shape_cast %slice3A : vector<512x50x64xbf16> to vector<512x3200xbf16>
    %get3A_3 = arith.constant 0 : index
    %get3A_4 = arith.constant 0 : index
    %get3A_5 = vector.load %arg2[%get3A_3, %get3A_4] : memref<3200x512xbf16, #tpu.memory_space<vmem>>, vector<3200x512xbf16>
    %dot_general3A = arith.constant dense<0.000000e+00> : vector<512x512xf32>
    %dot_general3A_6 = tpu.matmul %reshape3A_2, %get3A_5, %dot_general3A {dimension_numbers = #tpu.dot_dimension_numbers<[1], [0], [0], [1], [0, 0, 1, 1], [], []>, transpose_lhs_hint = false} : vector<512x3200xbf16>, vector<3200x512xbf16>, vector<512x512xf32> -> vector<512x512xf32>
    %get3A_7 = arith.constant 0 : index
    %get3A_8 = arith.constant 0 : index
    %get3A_9 = vector.load %arg3[%get3A_7, %get3A_8] : memref<1x512xf32, #tpu.memory_space<vmem>>, vector<1x512xf32>
    %add3A = vector.broadcast %get3A_9 : vector<1x512xf32> to vector<512x512xf32>
    %add3A_10 = arith.addf %dot_general3A_6, %add3A : vector<512x512xf32>
    %max3A = arith.constant 0.000000e+00 : f32
    %max3A_11 = vector.broadcast %max3A : f32 to vector<512x512xf32>
    %max3A_12 = arith.maximumf %add3A_10, %max3A_11 : vector<512x512xf32>
    %swap3A = arith.constant 0 : index
    %swap3A_13 = arith.constant 0 : index
    %swap3A_14 = vector.load %arg4[%swap3A, %swap3A_13] : memref<512x512xf32, #tpu.memory_space<vmem>>, vector<512x512xf32>
    tpu.vector_store %arg4[%swap3A, %swap3A_13], %max3A_12 {strides = array<i32>} : memref<512x512xf32, #tpu.memory_space<vmem>>, vector<512x512xf32>,
    return
  }
  func.func @transform_0(%arg0: i32) -> (i32, i32) {
    %c0_i32 = arith.constant 0 : i32
    %c0_i32_0 = arith.constant 0 : i32
    return %arg0, %c0_i32 : i32, i32
  }
  func.func @transform_1(%arg0: i32) -> (i32, i32) {
    %c0_i32 = arith.constant 0 : i32
    %c0_i32_0 = arith.constant 0 : i32
    %c0_i32_1 = arith.constant 0 : i32
    return %c0_i32, %c0_i32_0 : i32, i32
  }
  func.func @transform_2(%arg0: i32) -> (i32, i32) {
    %c0_i32 = arith.constant 0 : i32
    %c0_i32_0 = arith.constant 0 : i32
    %c0_i32_1 = arith.constant 0 : i32
    return %c0_i32, %c0_i32_0 : i32, i32
  }
  func.func @transform_3(%arg0: i32) -> (i32, i32) {
    %c0_i32 = arith.constant 0 : i32
    %c0_i32_0 = arith.constant 0 : i32
    return %arg0, %c0_i32 : i32, i32
  }
}

</mosaic_0001>

<sc_bundles>
// kernel: kernel.4.cloned.1.call-start
scs
__scs_entry_jumppad:
0x0: {  	(pc) =	sbr.rel $0x88, $3  }
0x1: {  	(tag) =	ssettag $0x0;
	lr =	simm.s32 $0x1  }
0x2: {  	[smem:$0x3F9D] =	sst lr;
	_ =	strace $0xD0000000  }
0x3: {  	_ = 	snop  }
0x4: {  	_ = 	snop  }
0x5: {  	_ = 	snop  }
0x6: {  	_ = 	snop  }
0x7: {  	_ = 	snop  }
__scs_overlays_trampoline_lowered:
0x8: {  	[smem:$0x3FAC] =	sst s0  }
0x9: {  	[smem:$0x3FAD] =	sst s1  }
0xa: {  	[smem:$0x3FAE] =	sst s2  }
0xb: {  	[smem:$0x3FAF] =	sst s3  }
0xc: {  	[smem:$0x3FB0] =	sst s4  }
0xd: {  	[smem:$0x3FB1] =	sst s5  }
0xe: {  	[smem:$0x3FB2] =	sst s6  }
0xf: {  	[smem:$0x3FB3] =	sst s7  }
0x10: {  	[smem:$0x3FB4] =	sst s8  }
0x11: {  	[smem:$0x3FB5] =	sst s9;
	s0 =	simm.s32 @!p0 $0x0  }
0x12: {  	s1 =	sld [smem:$0x3F9B];
	s0 =	simm.s32 @p0 $0x1  }
0x13: {  	[smem:$0x3FB6] =	sst s0;
	s0 =	simm.s32 @!p1 $0x0  }
0x14: {  	s2 =	sld [smem:$0x3F9A];
	s0 =	simm.s32 @p1 $0x1  }
0x15: {  	[smem:$0x3FB7] =	sst s0;
	s0 =	simm.s32 @!p2 $0x0  }
0x16: {  	s3 =	sld [smem:$0x3FDB];
	s0 =	simm.s32 @p2 $0x1  }
0x17: {  	s4 =	simm.s32 $0x1BF5;
	[smem:$0x3FB9] =	sst s0  }
0x18: {  	s0 =	sld [smem:$0x3F9C];
	_ =	swait.ge [sflag:s4], $0x0  }
0x19: {  	s7 =	sld [smem:$0x3F9D]  }
0x1a: {  	s8 =	sadd.s32 $0xFFFFE003, lr  }
0x1b: {  	s9 =	sadd.s32 $0xFFFFFEF7, lr;
	s5 =	simm.s32 $0xFFFFFFFF;
	p2 =	slt.u32 s8, $0xFFFFF086  }
0x1c: {  	p1 =	slt.u32 s9, $0xF7A;
	s5 =	simm.s32 @!p2 $0x0  }
0x1d: {  	s5 =	simm.s32 @p1 $0x1;
	p0 =	seq.s32 s7, s2  }
0x1e: {  	s7 =	smul.u32 @!p0 $0xF7A, s2;
	p2 =	seq.s32 @!p0 s5, $0x0  }
0x1f: {  	s9 =	smul.u32 $0xF7A, s1;
	s8 =	simm.s32 @!p0 $0x1BF5;
	p2 =	por !p2, p0  }
0x20: {  	[sflag:s8] =	ssyncset.s32 @!p0 $0xFFFFF086;
	s6 =	sadd.s32 @!p0 s3, s7;
	s7 =	simm.s32 @!p0 $0x108  }
0x21: {  	s3 =	sadd.s32 s3, s9;
	s6 =	sadd.s32 @!p0 $0x88, s6;
	s7 =	simm.s32 @p2 $0x1082  }
0x22: {  	[simem:s7], [sflag:s8] =	dma.local @!p0 [hbm:s6], $0xF7A  }
0x23: {  	s9 =	sor.u32 $0xD0000000, s2;
	s6 =	simm.s32 $0x108;
	_ =	swait.ge @!p0 [sflag:s8], $0x0  }
0x24: {  	s3 =	sadd.s32 $0x88, s3;
	s6 =	simm.s32 @!p1 $0x1082;
	[sflag:s4] =	ssyncset.s32 $0xFFFFF086  }
0x25: {  	[simem:s6], [sflag:s4] =	dma.local [hbm:s3], $0xF7A  }
0x26: {  	[smem:$0x3F9D] =	sst s1;
	(tag) =	ssettag s2;
	_ =	strace s9  }
0x27: {  	s1 =	sld [smem:$0x3FAD]  }
0x28: {  	s2 =	sld [smem:$0x3FAE]  }
0x29: {  	s4 =	sld [smem:$0x3FB0]  }
0x2a: {  	p0 =	seq.s32 s5, $0x0;
	s5 =	sld [smem:$0x3FB1]  }
0x2b: {  	s6 =	sld [smem:$0x3FB2]  }
0x2c: {  	s7 =	sld [smem:$0x3FB3]  }
0x2d: {  	s3 =	simm.s32 $0x108;
	s8 =	sld [smem:$0x3FB4]  }
0x2e: {  	s3 =	simm.s32 @!p0 $0x1082;
	s9 =	sld [smem:$0x3FB5]  }
0x2f: {  	lr =	sadd.s32 s0, s3;
	s0 =	sld [smem:$0x3FAC]  }
0x30: {  	s3 =	sld [smem:$0x3FAF]  }
0x31: {  	[smem:$0x3FB8] =	sst s10  }
0x32: {  	s10 =	sld [smem:$0x3FB6];
	_ =	sdelay $0x3  }
0x33: {  	p0 =	seq.s32 s10, $0x1;
	s10 =	sld [smem:$0x3FB8];
	_ =	sdelay $0x3  }
0x34: {  	[smem:$0x3FB8] =	sst s10  }
0x35: {  	s10 =	sld [smem:$0x3FB7];
	_ =	sdelay $0x3  }
0x36: {  	p1 =	seq.s32 s10, $0x1;
	s10 =	sld [smem:$0x3FB8];
	_ =	sdelay $0x3  }
0x37: {  	[smem:$0x3FB8] =	sst s10  }
0x38: {  	s10 =	sld [smem:$0x3FB9]  }
0x39: {  	_ = 	snop;
	(pc) =	sbr.ind lr, $3  }
0x3a: {  	_ = 	snop  }
0x3b: {  	_ = 	snop  }
0x3c: {  	p2 =	seq.s32 s10, $0x1;
	s10 =	sld [smem:$0x3FB8]  }
0x3d: {  	_ =	shalt  }
0x3e: {  	_ =	shalt  }
0x3f: {  	_ =	shalt  }
0x40: {  	_ =	shalt  }
0x41: {  	_ =	shalt  }
0x42: {  	_ =	shalt  }
0x43: {  	_ =	shalt  }
0x44: {  	_ =	shalt  }
0x45: {  	_ =	shalt  }
0x46: {  	_ =	shalt  }
0x47: {  	_ =	shalt  }
0x48: {  	_ =	shalt  }
0x49: {  	_ =	shalt  }
0x4a: {  	_ =	shalt  }
0x4b: {  	_ =	shalt  }
0x4c: {  	_ =	shalt  }
0x4d: {  	_ =	shalt  }
0x4e: {  	_ =	shalt  }
0x4f: {  	_ =	shalt  }
0x50: {  	_ =	shalt  }
0x51: {  	_ =	shalt  }
0x52: {  	_ =	shalt  }
0x53: {  	_ =	shalt  }
0x54: {  	_ =	shalt  }
0x55: {  	_ =	shalt  }
0x56: {  	_ =	shalt  }
0x57: {  	_ =	shalt  }
0x58: {  	_ =	shalt  }
0x59: {  	_ =	shalt  }
0x5a: {  	_ =	shalt  }
0x5b: {  	_ =	shalt  }
0x5c: {  	_ =	shalt  }
0x5d: {  	_ =	shalt  }
0x5e: {  	_ =	shalt  }
0x5f: {  	_ =	shalt  }
0x60: {  	_ =	shalt  }
0x61: {  	_ =	shalt  }
0x62: {  	_ =	shalt  }
0x63: {  	_ =	shalt  }
0x64: {  	_ =	shalt  }
0x65: {  	_ =	shalt  }
0x66: {  	_ =	shalt  }
0x67: {  	_ =	shalt  }
0x68: {  	_ =	shalt  }
0x69: {  	_ =	shalt  }
0x6a: {  	_ =	shalt  }
0x6b: {  	_ =	shalt  }
0x6c: {  	_ =	shalt  }
0x6d: {  	_ =	shalt  }
0x6e: {  	_ =	shalt  }
0x6f: {  	_ =	shalt  }
0x70: {  	_ =	shalt  }
0x71: {  	_ =	shalt  }
0x72: {  	_ =	shalt  }
0x73: {  	_ =	shalt  }
0x74: {  	_ =	shalt  }
0x75: {  	_ =	shalt  }
0x76: {  	_ =	shalt  }
0x77: {  	_ =	shalt  }
0x78: {  	_ =	shalt  }
0x79: {  	_ =	shalt  }
0x7a: {  	_ =	shalt  }
0x7b: {  	_ =	shalt  }
0x7c: {  	_ =	shalt  }
0x7d: {  	_ =	shalt  }
0x7e: {  	_ =	shalt  }
0x7f: {  	_ =	shalt  }
0x80: {  	_ =	shalt  }
0x81: {  	_ =	shalt  }
0x82: {  	_ =	shalt  }
0x83: {  	_ =	shalt  }
0x84: {  	_ =	shalt  }
0x85: {  	_ =	shalt  }
0x86: {  	_ =	shalt  }
0x87: {  	_ =	shalt  }
.Lfunc_end0:
.L_simem_size_0:
called_computation_lowered:
.L_overlay_start_0:
0x88: {  	s2 =	sld [smem:$0x3FD9]  }
0x89: {  	s3 =	sld [smem:$0x3FFE];
	_ =	sdelay $0x1  }
0x8a: {  	s1 =	srdreg.scid  }
0x8b: {  	s0 =	sand.u32 $0x1, s1  }
0x8c: {  	s17 =	sshll.u32 s0, $0xA;
	s2 =	sadd.s32 s3, s2  }
0x8d: {  	s2 =	sadd.s32 s2, s17  }
0x8e: {  	[smem:$0x3FC4] =	sst s2  }
0x8f: {  	_ = 	snop  }
0x90: {  	s2 =	sld [smem:$0x3FD0];
	(tm) =	ssettm $0x1  }
0x91: {  	s18 =	sld [smem:$0x3FFB];
	_ =	sdelay $0x3  }
0x92: {  	_ =	strace s18  }
0x93: {  	s3 =	sld [smem:$0x3FFC];
	_ =	sdelay $0x3  }
0x94: {  	_ =	strace s3  }
0x95: {  	s3 =	sld [smem:$0x3FFD];
	_ =	sdelay $0x3  }
0x96: {  	_ =	strace s3  }
0x97: {  	_ =	strace $0x8FFFFFFF  }
0x98: {  	s19 =	sld [smem:$0x3FDB];
	_ =	sdelay $0x1  }
0x99: {  	s4 =	simm.s32 $_scs_section_size  }
0x9a: {  	s5 =	simm.s32 $_size__tile_overlayer_lowered;
	s6 =	simm.s32 $_tile_overlayer_lowered  }
0x9b: {  	s22 =	simm.s32 $0x1BFF;
	s21 =	sshll.u32 s6, $0x1;
	s3 =	sadd.s32 s4, s19  }
0x9c: {  	s7 =	simm.s32 $0x0;
	s20 =	sshll.u32 s5, $0x1;
	s5 =	sadd.s32 s21, s3  }
0x9d: {  	[timem:s7], [sflag:s22] =	dma.local [hbm:s5], s20  }
0x9e: {  	_ =	swait.ge [sflag:s22], s20  }
0x9f: {  	s4 =	ssub.s32 $0x0, s20;
	[sflag:s22] =	ssyncset.done $0x0  }
0xa0: {  	[sflag:s22] =	ssyncadd.s32 s4;
	_ =	sdelay $0x1  }
0xa1: {  	s23 =	simm.s32 $0x1B8B  }
0xa2: {  	_ =	swait.ge [sflag:s23], $0x1  }
0xa3: {  	[sflag:s23] =	ssyncset.done $0x0  }
0xa4: {  	s25 =	simm.s32 $0x1B8E;
	s24 =	sld [smem:$0x3FFE];
	[sflag:s23] =	ssyncadd.s32 $0xFFFFFFFF  }
0xa5: {  	s26 =	simm.s32 $execute0_lowered;
	[smem:$0x3FD2] =	sst s25  }
0xa6: {  	s5 =	sshll.u32 s26, $0x1;
	_ =	strace $0x80000046;
	[dreg:$0x1] =	wrdreg $0xFFFFFFFF  }
0xa7: {  	s28 =	simm.s32 $_size_execute0_lowered;
	s3 =	sadd.s32 s3, s5;
	[dreg:$0x0] =	wrdreg $0x0  }
0xa8: {  	s5 =	sshll.u32 s28, $0x1;
	[dreg:$0x2] =	wrdreg s3  }
0xa9: {  	[dreg:$0x3] =	wrdreg s5  }
0xaa: {  	[dreg:$0x4] =	wrdreg $0xC0  }
0xab: {  	_ =	task [dreg:s7], $0x5FFFF  }
0xac: {  	[dreg:$0x1] =	wrdreg $0xFFFFFFFF  }
0xad: {  	[dreg:$0x0] =	wrdreg $0x60  }
0xae: {  	[dreg:$0x2] =	wrdreg s24  }
0xaf: {  	[dreg:$0x3] =	wrdreg s2  }
0xb0: {  	[dreg:$0x4] =	wrdreg $0x9  }
0xb1: {  	_ =	task.clear_ibuf [dreg:s7], $0x5FFFF;
	_ =	strace $0x90000046  }
0xb2: {  	s29 =	simm.s32 $0x9;
	_ =	strace $0x80000048  }
0xb3: {  	_ =	swait.ge [sflag:s29], $0x1  }
0xb4: {  	[sflag:s29] =	ssyncadd.s32 $0xFFFFFFFF  }
0xb5: {  	_ =	strace $0x90000048  }
0xb6: {  	_ =	sfence  }
0xb7: {  	s30 =	sld [smem:$0x0];
	_ =	sdelay $0x2  }
0xb8: {  	s31 =	sshll.u32 s1, $0xD;
	s1 =	sshrl.u32 s1, $0x2  }
0xb9: {  	s3 =	sand.u32 $0x4000, s31;
	s1 =	sadd.s32 s1, s30  }
0xba: {  	s0 =	sor.u32 s3, s0;
	s1 =	sshll.u32 s1, $0x11  }
0xbb: {  	s0 =	sor.u32 s1, s0  }
0xbc: {  	s0 =	sadd.s32 $0x8F2B, s0  }
0xbd: {  	[sflag:s0] =	ssyncadd.remote.s32 $0x1  }
0xbe: {  	_ =	sfence.sel $0xFFFF  }
0xbf: {  	[dreg:$0x0] =	wrdreg $0xFFFFFFFF;
	(pc) =	sbr.abs _section_cstart, $3  }
0xc0: {  	[dreg:$0x1] =	wrdreg $0xFFFFFFFF  }
0xc1: {  	_ =	task.clear_ibuf [dreg:s7], $0x2FFFF;
	_ =	strace $0x9FFFFFFF  }
0xc2: {  	(tm) =	ssettm $0x7FFFFFFF  }
0xc3: {  	_ =	shalt  }
tec
execute0_lowered:
.L_overlay_start_1:
0x0: {  	(tag) =	ssettag $0x1  }
0x1: {  	s0 =	rddreg [dreg:$0x0]  }
0x2: {  	s1 =	rddreg [dreg:$0x1];
	s2 =	simm.s32 $0x0  }
0x3: {  	s3 =	srdreg.scid;
	s4 =	stileid.u32;
	s9 =	simm.s32 $0x1900  }
0x4: {  	s23 =	simm.s32 $0xB900;
	s24 =	simm.s32 $0x12100;
	s25 =	simm.s32 $0x14900  }
0x5: {  	s28 =	simm.s32 $0xFD00;
	s29 =	simm.s32 $0x12500;
	s30 =	simm.s32 $0x14D00  }
0x6: {  	s31 =	simm.s32 $0xD900;
	s10 =	simm.s32 $0x12D00;
	s11 =	simm.s32 $0x15500  }
0x7: {  	s12 =	simm.s32 $0x1;
	s13 =	simm.s32 $0x2800;
	s14 =	simm.s32 $0xC800  }
0x8: {  	s15 =	simm.s32 $0x2;
	s16 =	simm.s32 $0x3;
	s17 =	simm.s32 $0x4  }
0x9: {  	[smem:$0x7FF] =	sst s2;
	s3 =	sand.u32 $0x1, s3;
	s4 =	sshll.u32 s4, $0x1  }
0xa: {  	s19 =	simm.s32 $0x0;
	_ =	strace $0x80000047;
	s6 =	sor.u32 s3, s4  }
0xb: {  	s5 =	ssub.s32 $0x2, s3;
	s3 =	sadd.s32 $0x187400, s0;
	s8 =	smul.u32 $0x320, s6  }
.Ltmp0:
0xc: {  	s4 =	sadd.s32 $0x30DE00, s0;
	s7 =	sshrl.u32 s5, $0x1;
	(pc) =	sbr.rel .LBB2_1-.Ltmp0, $4  }
0xd: {  	s26 =	ssub.s32 s5, s7;
	s5 =	sshll.u32 s6, $0x7;
	s6 =	simm.s32 $0x15100  }
0xe: {  	v2 =	vlaneseq.u32;
	s7 =	simm.s32 $0xDD00;
	s1 =	sadd.s32 s1, s8;
	s0 =	smax.u32 s26, $0x1  }
0xf: {  	vm0 =	vmmov $0xff;
	v1 =	vshrl.u32 v2, $0x3;
	s26 =	simm.s32 $0xD500;
	s8 =	simm.s32 $0x10500;
	[dreg:$0x3] =	wrdreg s1  }
0x10: {  	v0 =	vand.u32 $0x7, v2;
	v2 =	vor.u32 $0x8, v2;
	v1 =	vmul.u32 $0x8, v1;
	[dreg:$0x4] =	wrdreg s0;
	s0 =	simm.s32 $0x10100;
	s1 =	simm.s32 $0x12900  }
.LBB2_4:
0x11: {  	_ =	swait.ge [sflag:s17], $0xA000  }
0x12: {  	s19 =	rddreg [dreg:$0x5]  }
0x13: {  	s18 =	rddreg [dreg:$0x4];
	s19 =	sadd.s32 $0x1, s19  }
0x14: {  	p0 =	sne.s32 s19, s18  }
.Ltmp1:
0x15: {  	_ = 	snop;
	(pc) =	sbr.rel @!p0 .LBB2_5-.Ltmp1, $3  }
0x16: {  	_ =	sdelay $0x1  }
0x17: {  	[sflag:s17] =	ssyncset.done $0x0  }
0x18: {  	[sflag:s17] =	ssyncadd.s32 $0xFFFF6000  }
.LBB2_1:
0x19: {  	[dreg:$0x5] =	wrdreg s19  }
0x1a: {  	s18 =	rddreg [dreg:$0x3];
	s22 =	simm.s32 $0x5  }
0x1b: {  	[tilespmem:s2], [sflag:$0x5] =	stream.linear.gather [hbm4b:s18+s2], $0x1900, $0x38;
	[tilespmem:$0x15900] =	vst v63  }
0x1c: {  	_ =	swait.ge [sflag:s22], $0x1900  }
0x1d: {  	[sflag:s22] =	ssyncset.done $0x0  }
0x1e: {  	[sflag:s22] =	ssyncadd.s32 $0xFFFFE700  }
0x1f: {  	v3 =	vld [tilespmem:$0x0];
	_ =	sdelay $0x4  }
0x20: {  	v4 =	vperm.xlane v3, v0;
	_ =	sdelay $0x1  }
0x21: {  	v3 =	vperm.xlane v3, v2;
	v4 =	vadd.s32 v1, v4;
	_ =	sdelay $0x1  }
0x22: {  	v3 =	vadd.s32 v1, v3;
	_ =	sdelay $0x2  }
0x23: {  	[tilespmem:s9], [sflag:$0x1] =	stream.indirect_vreg.gather [hbm4b:s3+s2], $0x80, v4, vm0, $0xb8;
	[tilespmem:$0x15900] =	vst v63  }
0x24: {  	s19 =	simm.s32 $0x4100  }
0x25: {  	[tilespmem:s19], [sflag:$0x1] =	stream.indirect_vreg.gather [hbm4b:s3+s2], $0x80, v3, vm0, $0xb8;
	[tilespmem:$0x15900] =	vst v63  }
0x26: {  	v3 =	vld [tilespmem:$0x10];
	_ =	sdelay $0x4  }
0x27: {  	v25 =	vperm.xlane v3, v0;
	_ =	sdelay $0x1  }
0x28: {  	v3 =	vperm.xlane v3, v2;
	v4 =	vadd.s32 v1, v25;
	_ =	sdelay $0x1  }
0x29: {  	v3 =	vadd.s32 v1, v3;
	_ =	sdelay $0x1  }
0x2a: {  	s20 =	simm.s32 $0x6900  }
0x2b: {  	[tilespmem:s20], [sflag:$0x1] =	stream.indirect_vreg.gather [hbm4b:s3+s2], $0x80, v4, vm0, $0xb8;
	[tilespmem:$0x15900] =	vst v63  }
0x2c: {  	s21 =	simm.s32 $0x9100  }
0x2d: {  	[tilespmem:s21], [sflag:$0x1] =	stream.indirect_vreg.gather [hbm4b:s3+s2], $0x80, v3, vm0, $0xb8;
	[tilespmem:$0x15900] =	vst v63  }
0x2e: {  	v3 =	vld [tilespmem:$0x280];
	_ =	sdelay $0x4  }
0x2f: {  	v26 =	vperm.xlane v3, v0;
	_ =	sdelay $0x1  }
0x30: {  	v3 =	vperm.xlane v3, v2;
	v4 =	vadd.s32 v1, v26;
	_ =	sdelay $0x1  }
0x31: {  	v3 =	vadd.s32 v1, v3;
	_ =	sdelay $0x1  }
0x32: {  	s22 =	simm.s32 $0x1D00  }
0x33: {  	[tilespmem:s22], [sflag:$0x1] =	stream.indirect_vreg.gather [hbm4b:s3+s2], $0x80, v4, vm0, $0xb8;
	[tilespmem:$0x15900] =	vst v63  }
0x34: {  	s19 =	simm.s32 $0x4500  }
0x35: {  	[tilespmem:s19], [sflag:$0x1] =	stream.indirect_vreg.gather [hbm4b:s3+s2], $0x80, v3, vm0, $0xb8;
	[tilespmem:$0x15900] =	vst v63  }
0x36: {  	v3 =	vld [tilespmem:$0x290];
	_ =	sdelay $0x4  }
0x37: {  	v27 =	vperm.xlane v3, v0;
	_ =	sdelay $0x1  }
0x38: {  	v3 =	vperm.xlane v3, v2;
	v4 =	vadd.s32 v1, v27;
	_ =	sdelay $0x1  }
0x39: {  	v3 =	vadd.s32 v1, v3;
	_ =	sdelay $0x1  }
0x3a: {  	s20 =	simm.s32 $0x6D00  }
0x3b: {  	[tilespmem:s20], [sflag:$0x1] =	stream.indirect_vreg.gather [hbm4b:s3+s2], $0x80, v4, vm0, $0xb8;
	[tilespmem:$0x15900] =	vst v63  }
0x3c: {  	s21 =	simm.s32 $0x9500  }
0x3d: {  	[tilespmem:s21], [sflag:$0x1] =	stream.indirect_vreg.gather [hbm4b:s3+s2], $0x80, v3, vm0, $0xb8;
	[tilespmem:$0x15900] =	vst v63  }
0x3e: {  	v3 =	vld [tilespmem:$0x500];
	_ =	sdelay $0x4  }
0x3f: {  	v28 =	vperm.xlane v3, v0;
	_ =	sdelay $0x1  }
0x40: {  	v3 =	vperm.xlane v3, v2;
	v4 =	vadd.s32 v1, v28;
	_ =	sdelay $0x1  }
0x41: {  	v3 =	vadd.s32 v1, v3;
	_ =	sdelay $0x1  }
0x42: {  	s22 =	simm.s32 $0x2100  }
0x43: {  	[tilespmem:s22], [sflag:$0x1] =	stream.indirect_vreg.gather [hbm4b:s3+s2], $0x80, v4, vm0, $0xb8;
	[tilespmem:$0x15900] =	vst v63  }
0x44: {  	s19 =	simm.s32 $0x4900  }
0x45: {  	[tilespmem:s19], [sflag:$0x1] =	stream.indirect_vreg.gather [hbm4b:s3+s2], $0x80, v3, vm0, $0xb8;
	[tilespmem:$0x15900] =	vst v63  }
0x46: {  	v3 =	vld [tilespmem:$0x510];
	_ =	sdelay $0x4  }
0x47: {  	v29 =	vperm.xlane v3, v0;
	_ =	sdelay $0x1  }
0x48: {  	v3 =	vperm.xlane v3, v2;
	v4 =	vadd.s32 v1, v29;
	_ =	sdelay $0x1  }
0x49: {  	v3 =	vadd.s32 v1, v3;
	_ =	sdelay $0x1  }
0x4a: {  	s20 =	simm.s32 $0x7100  }
0x4b: {  	[tilespmem:s20], [sflag:$0x1] =	stream.indirect_vreg.gather [hbm4b:s3+s2], $0x80, v4, vm0, $0xb8;
	[tilespmem:$0x15900] =	vst v63  }
0x4c: {  	s21 =	simm.s32 $0x9900  }
0x4d: {  	[tilespmem:s21], [sflag:$0x1] =	stream.indirect_vreg.gather [hbm4b:s3+s2], $0x80, v3, vm0, $0xb8;
	[tilespmem:$0x15900] =	vst v63  }
0x4e: {  	v3 =	vld [tilespmem:$0x780];
	_ =	sdelay $0x4  }
0x4f: {  	v30 =	vperm.xlane v3, v0;
	_ =	sdelay $0x1  }
0x50: {  	v3 =	vperm.xlane v3, v2;
	v4 =	vadd.s32 v1, v30;
	_ =	sdelay $0x1  }
0x51: {  	v3 =	vadd.s32 v1, v3;
	_ =	sdelay $0x1  }
0x52: {  	s22 =	simm.s32 $0x2500  }
0x53: {  	[tilespmem:s22], [sflag:$0x1] =	stream.indirect_vreg.gather [hbm4b:s3+s2], $0x80, v4, vm0, $0xb8;
	[tilespmem:$0x15900] =	vst v63  }
0x54: {  	s19 =	simm.s32 $0x4D00  }
0x55: {  	[tilespmem:s19], [sflag:$0x1] =	stream.indirect_vreg.gather [hbm4b:s3+s2], $0x80, v3, vm0, $0xb8;
	[tilespmem:$0x15900] =	vst v63  }
0x56: {  	v3 =	vld [tilespmem:$0x790];
	_ =	sdelay $0x4  }
0x57: {  	v31 =	vperm.xlane v3, v0;
	_ =	sdelay $0x1  }
0x58: {  	v3 =	vperm.xlane v3, v2;
	v4 =	vadd.s32 v1, v31;
	_ =	sdelay $0x1  }
0x59: {  	v3 =	vadd.s32 v1, v3;
	_ =	sdelay $0x1  }
0x5a: {  	s20 =	simm.s32 $0x7500  }
0x5b: {  	[tilespmem:s20], [sflag:$0x1] =	stream.indirect_vreg.gather [hbm4b:s3+s2], $0x80, v4, vm0, $0xb8;
	[tilespmem:$0x15900] =	vst v63  }
0x5c: {  	s21 =	simm.s32 $0x9D00  }
0x5d: {  	[tilespmem:s21], [sflag:$0x1] =	stream.indirect_vreg.gather [hbm4b:s3+s2], $0x80, v3, vm0, $0xb8;
	[tilespmem:$0x15900] =	vst v63  }
0x5e: {  	v3 =	vld [tilespmem:$0xA00];
	_ =	sdelay $0x4  }
0x5f: {  	v32 =	vperm.xlane v3, v0;
	_ =	sdelay $0x1  }
0x60: {  	v3 =	vperm.xlane v3, v2;
	v4 =	vadd.s32 v1, v32;
	_ =	sdelay $0x1  }
0x61: {  	v3 =	vadd.s32 v1, v3;
	_ =	sdelay $0x1  }
0x62: {  	s22 =	simm.s32 $0x2900  }
0x63: {  	[tilespmem:s22], [sflag:$0x1] =	stream.indirect_vreg.gather [hbm4b:s3+s2], $0x80, v4, vm0, $0xb8;
	[tilespmem:$0x15900] =	vst v63  }
0x64: {  	s19 =	simm.s32 $0x5100  }
0x65: {  	[tilespmem:s19], [sflag:$0x1] =	stream.indirect_vreg.gather [hbm4b:s3+s2], $0x80, v3, vm0, $0xb8;
	[tilespmem:$0x15900] =	vst v63  }
0x66: {  	v3 =	vld [tilespmem:$0xA10];
	_ =	sdelay $0x4  }
0x67: {  	v33 =	vperm.xlane v3, v0;
	_ =	sdelay $0x1  }
0x68: {  	v3 =	vperm.xlane v3, v2;
	v4 =	vadd.s32 v1, v33;
	_ =	sdelay $0x1  }
0x69: {  	v3 =	vadd.s32 v1, v3;
	_ =	sdelay $0x1  }
0x6a: {  	s20 =	simm.s32 $0x7900  }
0x6b: {  	[tilespmem:s20], [sflag:$0x1] =	stream.indirect_vreg.gather [hbm4b:s3+s2], $0x80, v4, vm0, $0xb8;
	[tilespmem:$0x15900] =	vst v63  }
0x6c: {  	s21 =	simm.s32 $0xA100  }
0x6d: {  	[tilespmem:s21], [sflag:$0x1] =	stream.indirect_vreg.gather [hbm4b:s3+s2], $0x80, v3, vm0, $0xb8;
	[tilespmem:$0x15900] =	vst v63  }
0x6e: {  	v3 =	vld [tilespmem:$0xC80];
	_ =	sdelay $0x4  }
0x6f: {  	v34 =	vperm.xlane v3, v0;
	_ =	sdelay $0x1  }
0x70: {  	v3 =	vperm.xlane v3, v2;
	v4 =	vadd.s32 v1, v34;
	_ =	sdelay $0x1  }
0x71: {  	v3 =	vadd.s32 v1, v3;
	_ =	sdelay $0x1  }
0x72: {  	s22 =	simm.s32 $0x2D00  }
0x73: {  	[tilespmem:s22], [sflag:$0x1] =	stream.indirect_vreg.gather [hbm4b:s3+s2], $0x80, v4, vm0, $0xb8;
	[tilespmem:$0x15900] =	vst v63  }
0x74: {  	s19 =	simm.s32 $0x5500  }
0x75: {  	[tilespmem:s19], [sflag:$0x1] =	stream.indirect_vreg.gather [hbm4b:s3+s2], $0x80, v3, vm0, $0xb8;
	[tilespmem:$0x15900] =	vst v63  }
0x76: {  	v3 =	vld [tilespmem:$0xC90];
	_ =	sdelay $0x4  }
0x77: {  	v35 =	vperm.xlane v3, v0;
	_ =	sdelay $0x1  }
0x78: {  	v3 =	vperm.xlane v3, v2;
	v4 =	vadd.s32 v1, v35;
	_ =	sdelay $0x1  }
0x79: {  	v3 =	vadd.s32 v1, v3;
	_ =	sdelay $0x1  }
0x7a: {  	s20 =	simm.s32 $0x7D00  }
0x7b: {  	[tilespmem:s20], [sflag:$0x1] =	stream.indirect_vreg.gather [hbm4b:s3+s2], $0x80, v4, vm0, $0xb8;
	[tilespmem:$0x15900] =	vst v63  }
0x7c: {  	s21 =	simm.s32 $0xA500  }
0x7d: {  	[tilespmem:s21], [sflag:$0x1] =	stream.indirect_vreg.gather [hbm4b:s3+s2], $0x80, v3, vm0, $0xb8;
	[tilespmem:$0x15900] =	vst v63  }
0x7e: {  	v3 =	vld [tilespmem:$0xF00];
	_ =	sdelay $0x4  }
0x7f: {  	v36 =	vperm.xlane v3, v0;
	_ =	sdelay $0x1  }
0x80: {  	v3 =	vperm.xlane v3, v2;
	v4 =	vadd.s32 v1, v36;
	_ =	sdelay $0x1  }
0x81: {  	v3 =	vadd.s32 v1, v3;
	_ =	sdelay $0x1  }
0x82: {  	s22 =	simm.s32 $0x3100  }
0x83: {  	[tilespmem:s22], [sflag:$0x1] =	stream.indirect_vreg.gather [hbm4b:s3+s2], $0x80, v4, vm0, $0xb8;
	[tilespmem:$0x15900] =	vst v63  }
0x84: {  	s19 =	simm.s32 $0x5900  }
0x85: {  	[tilespmem:s19], [sflag:$0x1] =	stream.indirect_vreg.gather [hbm4b:s3+s2], $0x80, v3, vm0, $0xb8;
	[tilespmem:$0x15900] =	vst v63  }
0x86: {  	v3 =	vld [tilespmem:$0xF10];
	_ =	sdelay $0x4  }
0x87: {  	v37 =	vperm.xlane v3, v0;
	_ =	sdelay $0x1  }
0x88: {  	v3 =	vperm.xlane v3, v2;
	v4 =	vadd.s32 v1, v37;
	_ =	sdelay $0x1  }
0x89: {  	v3 =	vadd.s32 v1, v3;
	_ =	sdelay $0x1  }
0x8a: {  	s20 =	simm.s32 $0x8100  }
0x8b: {  	[tilespmem:s20], [sflag:$0x1] =	stream.indirect_vreg.gather [hbm4b:s3+s2], $0x80, v4, vm0, $0xb8;
	[tilespmem:$0x15900] =	vst v63  }
0x8c: {  	s21 =	simm.s32 $0xA900  }
0x8d: {  	[tilespmem:s21], [sflag:$0x1] =	stream.indirect_vreg.gather [hbm4b:s3+s2], $0x80, v3, vm0, $0xb8;
	[tilespmem:$0x15900] =	vst v63  }
0x8e: {  	v3 =	vld [tilespmem:$0x1180];
	_ =	sdelay $0x4  }
0x8f: {  	v38 =	vperm.xlane v3, v0;
	_ =	sdelay $0x1  }
0x90: {  	v3 =	vperm.xlane v3, v2;
	v4 =	vadd.s32 v1, v38;
	_ =	sdelay $0x1  }
0x91: {  	v3 =	vadd.s32 v1, v3;
	_ =	sdelay $0x1  }
0x92: {  	s22 =	simm.s32 $0x3500  }
0x93: {  	[tilespmem:s22], [sflag:$0x1] =	stream.indirect_vreg.gather [hbm4b:s3+s2], $0x80, v4, vm0, $0xb8;
	[tilespmem:$0x15900] =	vst v63  }
0x94: {  	s19 =	simm.s32 $0x5D00  }
0x95: {  	[tilespmem:s19], [sflag:$0x1] =	stream.indirect_vreg.gather [hbm4b:s3+s2], $0x80, v3, vm0, $0xb8;
	[tilespmem:$0x15900] =	vst v63  }
0x96: {  	v3 =	vld [tilespmem:$0x1190];
	_ =	sdelay $0x4  }
0x97: {  	v39 =	vperm.xlane v3, v0;
	_ =	sdelay $0x1  }
0x98: {  	v3 =	vperm.xlane v3, v2;
	v4 =	vadd.s32 v1, v39;
	_ =	sdelay $0x1  }
0x99: {  	v3 =	vadd.s32 v1, v3;
	_ =	sdelay $0x1  }
0x9a: {  	s20 =	simm.s32 $0x8500  }
0x9b: {  	[tilespmem:s20], [sflag:$0x1] =	stream.indirect_vreg.gather [hbm4b:s3+s2], $0x80, v4, vm0, $0xb8;
	[tilespmem:$0x15900] =	vst v63  }
0x9c: {  	s21 =	simm.s32 $0xAD00  }
0x9d: {  	[tilespmem:s21], [sflag:$0x1] =	stream.indirect_vreg.gather [hbm4b:s3+s2], $0x80, v3, vm0, $0xb8;
	[tilespmem:$0x15900] =	vst v63  }
0x9e: {  	v3 =	vld [tilespmem:$0x1400];
	_ =	sdelay $0x4  }
0x9f: {  	v40 =	vperm.xlane v3, v0;
	_ =	sdelay $0x1  }
0xa0: {  	v3 =	vperm.xlane v3, v2;
	v4 =	vadd.s32 v1, v40;
	_ =	sdelay $0x1  }
0xa1: {  	v3 =	vadd.s32 v1, v3;
	_ =	sdelay $0x1  }
0xa2: {  	s22 =	simm.s32 $0x3900  }
0xa3: {  	[tilespmem:s22], [sflag:$0x1] =	stream.indirect_vreg.gather [hbm4b:s3+s2], $0x80, v4, vm0, $0xb8;
	[tilespmem:$0x15900] =	vst v63  }
0xa4: {  	s19 =	simm.s32 $0x6100  }
0xa5: {  	[tilespmem:s19], [sflag:$0x1] =	stream.indirect_vreg.gather [hbm4b:s3+s2], $0x80, v3, vm0, $0xb8;
	[tilespmem:$0x15900] =	vst v63  }
0xa6: {  	v3 =	vld [tilespmem:$0x1410];
	_ =	sdelay $0x4  }
0xa7: {  	v41 =	vperm.xlane v3, v0;
	_ =	sdelay $0x1  }
0xa8: {  	v3 =	vperm.xlane v3, v2;
	v4 =	vadd.s32 v1, v41;
	_ =	sdelay $0x1  }
0xa9: {  	v3 =	vadd.s32 v1, v3;
	_ =	sdelay $0x1  }
0xaa: {  	s20 =	simm.s32 $0x8900  }
0xab: {  	[tilespmem:s20], [sflag:$0x1] =	stream.indirect_vreg.gather [hbm4b:s3+s2], $0x80, v4, vm0, $0xb8;
	[tilespmem:$0x15900] =	vst v63  }
0xac: {  	s21 =	simm.s32 $0xB100  }
0xad: {  	[tilespmem:s21], [sflag:$0x1] =	stream.indirect_vreg.gather [hbm4b:s3+s2], $0x80, v3, vm0, $0xb8;
	[tilespmem:$0x15900] =	vst v63  }
0xae: {  	v3 =	vld [tilespmem:$0x1680];
	_ =	sdelay $0x4  }
0xaf: {  	v42 =	vperm.xlane v3, v0;
	_ =	sdelay $0x1  }
0xb0: {  	v3 =	vperm.xlane v3, v2;
	v4 =	vadd.s32 v1, v42;
	_ =	sdelay $0x1  }
0xb1: {  	v3 =	vadd.s32 v1, v3;
	_ =	sdelay $0x1  }
0xb2: {  	s22 =	simm.s32 $0x3D00  }
0xb3: {  	[tilespmem:s22], [sflag:$0x1] =	stream.indirect_vreg.gather [hbm4b:s3+s2], $0x80, v4, vm0, $0xb8;
	[tilespmem:$0x15900] =	vst v63  }
0xb4: {  	s19 =	simm.s32 $0x6500  }
0xb5: {  	[tilespmem:s19], [sflag:$0x1] =	stream.indirect_vreg.gather [hbm4b:s3+s2], $0x80, v3, vm0, $0xb8;
	[tilespmem:$0x15900] =	vst v63  }
0xb6: {  	v3 =	vld [tilespmem:$0x1690];
	_ =	sdelay $0x4  }
0xb7: {  	v43 =	vperm.xlane v3, v0;
	_ =	sdelay $0x1  }
0xb8: {  	v3 =	vperm.xlane v3, v2;
	v4 =	vadd.s32 v1, v43;
	_ =	sdelay $0x1  }
0xb9: {  	v3 =	vadd.s32 v1, v3;
	_ =	sdelay $0x1  }
0xba: {  	s20 =	simm.s32 $0x8D00  }
0xbb: {  	[tilespmem:s20], [sflag:$0x1] =	stream.indirect_vreg.gather [hbm4b:s3+s2], $0x80, v4, vm0, $0xb8;
	[tilespmem:$0x15900] =	vst v63  }
0xbc: {  	s21 =	simm.s32 $0xB500  }
0xbd: {  	[tilespmem:s21], [sflag:$0x1] =	stream.indirect_vreg.gather [hbm4b:s3+s2], $0x80, v3, vm0, $0xb8;
	[tilespmem:$0x15900] =	vst v63  }
0xbe: {  	v3 =	vld [tilespmem:$0x20];
	_ =	sdelay $0x4  }
0xbf: {  	v44 =	vperm.xlane v3, v0;
	_ =	sdelay $0x1  }
0xc0: {  	v3 =	vperm.xlane v3, v2;
	v4 =	vadd.s32 v1, v44;
	_ =	sdelay $0x1  }
0xc1: {  	v3 =	vadd.s32 v1, v3;
	_ =	sdelay $0x2  }
0xc2: {  	[tilespmem:s23], [sflag:$0x2] =	stream.indirect_vreg.gather [hbm4b:s3+s2], $0x80, v4, vm0, $0xb8;
	[tilespmem:$0x15900] =	vst v63  }
0xc3: {  	s22 =	simm.s32 $0xE100  }
0xc4: {  	[tilespmem:s22], [sflag:$0x2] =	stream.indirect_vreg.gather [hbm4b:s3+s2], $0x80, v3, vm0, $0xb8;
	[tilespmem:$0x15900] =	vst v63  }
0xc5: {  	v3 =	vld [tilespmem:$0x30];
	_ =	sdelay $0x4  }
0xc6: {  	v45 =	vperm.xlane v3, v0;
	_ =	sdelay $0x1  }
0xc7: {  	v3 =	vperm.xlane v3, v2;
	v4 =	vadd.s32 v1, v45;
	_ =	sdelay $0x1  }
0xc8: {  	v3 =	vadd.s32 v1, v3;
	_ =	sdelay $0x1  }
0xc9: {  	s19 =	simm.s32 $0x10900  }
0xca: {  	[tilespmem:s19], [sflag:$0x2] =	stream.indirect_vreg.gather [hbm4b:s3+s2], $0x80, v4, vm0, $0xb8;
	[tilespmem:$0x15900] =	vst v63  }
0xcb: {  	s20 =	simm.s32 $0x13100  }
0xcc: {  	[tilespmem:s20], [sflag:$0x2] =	stream.indirect_vreg.gather [hbm4b:s3+s2], $0x80, v3, vm0, $0xb8;
	[tilespmem:$0x15900] =	vst v63  }
0xcd: {  	v3 =	vld [tilespmem:$0x2A0];
	_ =	sdelay $0x4  }
0xce: {  	v46 =	vperm.xlane v3, v0;
	_ =	sdelay $0x1  }
0xcf: {  	v3 =	vperm.xlane v3, v2;
	v4 =	vadd.s32 v1, v46;
	_ =	sdelay $0x1  }
0xd0: {  	v3 =	vadd.s32 v1, v3;
	_ =	sdelay $0x1  }
0xd1: {  	s21 =	simm.s32 $0xBD00  }
0xd2: {  	[tilespmem:s21], [sflag:$0x2] =	stream.indirect_vreg.gather [hbm4b:s3+s2], $0x80, v4, vm0, $0xb8;
	[tilespmem:$0x15900] =	vst v63  }
0xd3: {  	s22 =	simm.s32 $0xE500  }
0xd4: {  	[tilespmem:s22], [sflag:$0x2] =	stream.indirect_vreg.gather [hbm4b:s3+s2], $0x80, v3, vm0, $0xb8;
	[tilespmem:$0x15900] =	vst v63  }
0xd5: {  	v3 =	vld [tilespmem:$0x2B0];
	_ =	sdelay $0x4  }
0xd6: {  	v47 =	vperm.xlane v3, v0;
	_ =	sdelay $0x1  }
0xd7: {  	v3 =	vperm.xlane v3, v2;
	v4 =	vadd.s32 v1, v47;
	_ =	sdelay $0x1  }
0xd8: {  	v3 =	vadd.s32 v1, v3;
	_ =	sdelay $0x1  }
0xd9: {  	s19 =	simm.s32 $0x10D00  }
0xda: {  	[tilespmem:s19], [sflag:$0x2] =	stream.indirect_vreg.gather [hbm4b:s3+s2], $0x80, v4, vm0, $0xb8;
	[tilespmem:$0x15900] =	vst v63  }
0xdb: {  	s20 =	simm.s32 $0x13500  }
0xdc: {  	[tilespmem:s20], [sflag:$0x2] =	stream.indirect_vreg.gather [hbm4b:s3+s2], $0x80, v3, vm0, $0xb8;
	[tilespmem:$0x15900] =	vst v63  }
0xdd: {  	v3 =	vld [tilespmem:$0x520];
	_ =	sdelay $0x4  }
0xde: {  	v48 =	vperm.xlane v3, v0;
	_ =	sdelay $0x1  }
0xdf: {  	v3 =	vperm.xlane v3, v2;
	v4 =	vadd.s32 v1, v48;
	_ =	sdelay $0x1  }
0xe0: {  	v3 =	vadd.s32 v1, v3;
	_ =	sdelay $0x1  }
0xe1: {  	s21 =	simm.s32 $0xC100  }
0xe2: {  	[tilespmem:s21], [sflag:$0x2] =	stream.indirect_vreg.gather [hbm4b:s3+s2], $0x80, v4, vm0, $0xb8;
	[tilespmem:$0x15900] =	vst v63  }
0xe3: {  	s22 =	simm.s32 $0xE900  }
0xe4: {  	[tilespmem:s22], [sflag:$0x2] =	stream.indirect_vreg.gather [hbm4b:s3+s2], $0x80, v3, vm0, $0xb8;
	[tilespmem:$0x15900] =	vst v63  }
0xe5: {  	v3 =	vld [tilespmem:$0x530];
	_ =	sdelay $0x4  }
0xe6: {  	v49 =	vperm.xlane v3, v0;
	_ =	sdelay $0x1  }
0xe7: {  	v3 =	vperm.xlane v3, v2;
	v4 =	vadd.s32 v1, v49;
	_ =	sdelay $0x1  }
0xe8: {  	v3 =	vadd.s32 v1, v3;
	_ =	sdelay $0x1  }
0xe9: {  	s19 =	simm.s32 $0x11100  }
0xea: {  	[tilespmem:s19], [sflag:$0x2] =	stream.indirect_vreg.gather [hbm4b:s3+s2], $0x80, v4, vm0, $0xb8;
	[tilespmem:$0x15900] =	vst v63  }
0xeb: {  	s20 =	simm.s32 $0x13900  }
0xec: {  	[tilespmem:s20], [sflag:$0x2] =	stream.indirect_vreg.gather [hbm4b:s3+s2], $0x80, v3, vm0, $0xb8;
	[tilespmem:$0x15900] =	vst v63  }
0xed: {  	v3 =	vld [tilespmem:$0x7A0];
	_ =	sdelay $0x4  }
0xee: {  	v50 =	vperm.xlane v3, v0;
	_ =	sdelay $0x1  }
0xef: {  	v3 =	vperm.xlane v3, v2;
	v4 =	vadd.s32 v1, v50;
	_ =	sdelay $0x1  }
0xf0: {  	v3 =	vadd.s32 v1, v3;
	_ =	sdelay $0x1  }
0xf1: {  	s21 =	simm.s32 $0xC500  }
0xf2: {  	[tilespmem:s21], [sflag:$0x2] =	stream.indirect_vreg.gather [hbm4b:s3+s2], $0x80, v4, vm0, $0xb8;
	[tilespmem:$0x15900] =	vst v63  }
0xf3: {  	s22 =	simm.s32 $0xED00  }
0xf4: {  	[tilespmem:s22], [sflag:$0x2] =	stream.indirect_vreg.gather [hbm4b:s3+s2], $0x80, v3, vm0, $0xb8;
	[tilespmem:$0x15900] =	vst v63  }
0xf5: {  	v3 =	vld [tilespmem:$0x7B0];
	_ =	sdelay $0x4  }
0xf6: {  	v51 =	vperm.xlane v3, v0;
	_ =	sdelay $0x1  }
0xf7: {  	v3 =	vperm.xlane v3, v2;
	v4 =	vadd.s32 v1, v51;
	_ =	sdelay $0x1  }
0xf8: {  	v3 =	vadd.s32 v1, v3;
	_ =	sdelay $0x1  }
0xf9: {  	s19 =	simm.s32 $0x11500  }
0xfa: {  	[tilespmem:s19], [sflag:$0x2] =	stream.indirect_vreg.gather [hbm4b:s3+s2], $0x80, v4, vm0, $0xb8;
	[tilespmem:$0x15900] =	vst v63  }
0xfb: {  	s20 =	simm.s32 $0x13D00  }
0xfc: {  	[tilespmem:s20], [sflag:$0x2] =	stream.indirect_vreg.gather [hbm4b:s3+s2], $0x80, v3, vm0, $0xb8;
	[tilespmem:$0x15900] =	vst v63  }
0xfd: {  	v3 =	vld [tilespmem:$0xA20];
	_ =	sdelay $0x4  }
0xfe: {  	v52 =	vperm.xlane v3, v0;
	_ =	sdelay $0x1  }
0xff: {  	v3 =	vperm.xlane v3, v2;
	v4 =	vadd.s32 v1, v52;
	_ =	sdelay $0x1  }
0x100: {  	v3 =	vadd.s32 v1, v3;
	_ =	sdelay $0x1  }
0x101: {  	s21 =	simm.s32 $0xC900  }
0x102: {  	[tilespmem:s21], [sflag:$0x2] =	stream.indirect_vreg.gather [hbm4b:s3+s2], $0x80, v4, vm0, $0xb8;
	[tilespmem:$0x15900] =	vst v63  }
0x103: {  	s22 =	simm.s32 $0xF100  }
0x104: {  	[tilespmem:s22], [sflag:$0x2] =	stream.indirect_vreg.gather [hbm4b:s3+s2], $0x80, v3, vm0, $0xb8;
	[tilespmem:$0x15900] =	vst v63  }
0x105: {  	v3 =	vld [tilespmem:$0xA30];
	_ =	sdelay $0x4  }
0x106: {  	v53 =	vperm.xlane v3, v0;
	_ =	sdelay $0x1  }
0x107: {  	v3 =	vperm.xlane v3, v2;
	v4 =	vadd.s32 v1, v53;
	_ =	sdelay $0x1  }
0x108: {  	v3 =	vadd.s32 v1, v3;
	_ =	sdelay $0x1  }
0x109: {  	s19 =	simm.s32 $0x11900  }
0x10a: {  	[tilespmem:s19], [sflag:$0x2] =	stream.indirect_vreg.gather [hbm4b:s3+s2], $0x80, v4, vm0, $0xb8;
	[tilespmem:$0x15900] =	vst v63  }
0x10b: {  	s20 =	simm.s32 $0x14100  }
0x10c: {  	[tilespmem:s20], [sflag:$0x2] =	stream.indirect_vreg.gather [hbm4b:s3+s2], $0x80, v3, vm0, $0xb8;
	[tilespmem:$0x15900] =	vst v63  }
0x10d: {  	v3 =	vld [tilespmem:$0xCA0];
	_ =	sdelay $0x4  }
0x10e: {  	v54 =	vperm.xlane v3, v0;
	_ =	sdelay $0x1  }
0x10f: {  	v3 =	vperm.xlane v3, v2;
	v4 =	vadd.s32 v1, v54;
	_ =	sdelay $0x1  }
0x110: {  	v3 =	vadd.s32 v1, v3;
	_ =	sdelay $0x1  }
0x111: {  	s21 =	simm.s32 $0xCD00  }
0x112: {  	[tilespmem:s21], [sflag:$0x2] =	stream.indirect_vreg.gather [hbm4b:s3+s2], $0x80, v4, vm0, $0xb8;
	[tilespmem:$0x15900] =	vst v63  }
0x113: {  	s22 =	simm.s32 $0xF500  }
0x114: {  	[tilespmem:s22], [sflag:$0x2] =	stream.indirect_vreg.gather [hbm4b:s3+s2], $0x80, v3, vm0, $0xb8;
	[tilespmem:$0x15900] =	vst v63  }
0x115: {  	v3 =	vld [tilespmem:$0xCB0];
	_ =	sdelay $0x4  }
0x116: {  	v55 =	vperm.xlane v3, v0;
	_ =	sdelay $0x1  }
0x117: {  	v3 =	vperm.xlane v3, v2;
	v4 =	vadd.s32 v1, v55;
	_ =	sdelay $0x1  }
0x118: {  	v3 =	vadd.s32 v1, v3;
	_ =	sdelay $0x1  }
0x119: {  	s19 =	simm.s32 $0x11D00  }
0x11a: {  	[tilespmem:s19], [sflag:$0x2] =	stream.indirect_vreg.gather [hbm4b:s3+s2], $0x80, v4, vm0, $0xb8;
	[tilespmem:$0x15900] =	vst v63  }
0x11b: {  	s20 =	simm.s32 $0x14500  }
0x11c: {  	[tilespmem:s20], [sflag:$0x2] =	stream.indirect_vreg.gather [hbm4b:s3+s2], $0x80, v3, vm0, $0xb8;
	[tilespmem:$0x15900] =	vst v63  }
0x11d: {  	v3 =	vld [tilespmem:$0xF20];
	_ =	sdelay $0x4  }
0x11e: {  	v56 =	vperm.xlane v3, v0;
	_ =	sdelay $0x1  }
0x11f: {  	v3 =	vperm.xlane v3, v2;
	v4 =	vadd.s32 v1, v56;
	_ =	sdelay $0x1  }
0x120: {  	v3 =	vadd.s32 v1, v3;
	_ =	sdelay $0x1  }
0x121: {  	s21 =	simm.s32 $0xD100  }
0x122: {  	[tilespmem:s21], [sflag:$0x2] =	stream.indirect_vreg.gather [hbm4b:s3+s2], $0x80, v4, vm0, $0xb8;
	[tilespmem:$0x15900] =	vst v63  }
0x123: {  	s22 =	simm.s32 $0xF900  }
0x124: {  	[tilespmem:s22], [sflag:$0x2] =	stream.indirect_vreg.gather [hbm4b:s3+s2], $0x80, v3, vm0, $0xb8;
	[tilespmem:$0x15900] =	vst v63  }
0x125: {  	v3 =	vld [tilespmem:$0xF30];
	_ =	sdelay $0x4  }
0x126: {  	v57 =	vperm.xlane v3, v0;
	_ =	sdelay $0x1  }
0x127: {  	v3 =	vperm.xlane v3, v2;
	v4 =	vadd.s32 v1, v57;
	_ =	sdelay $0x1  }
0x128: {  	v3 =	vadd.s32 v1, v3;
	_ =	sdelay $0x2  }
0x129: {  	[tilespmem:s24], [sflag:$0x2] =	stream.indirect_vreg.gather [hbm4b:s3+s2], $0x80, v4, vm0, $0xb8;
	[tilespmem:$0x15900] =	vst v63  }
0x12a: {  	_ = 	snop  }
0x12b: {  	[tilespmem:s25], [sflag:$0x2] =	stream.indirect_vreg.gather [hbm4b:s3+s2], $0x80, v3, vm0, $0xb8;
	[tilespmem:$0x15900] =	vst v63  }
0x12c: {  	v3 =	vld [tilespmem:$0x11A0];
	_ =	sdelay $0x4  }
0x12d: {  	v58 =	vperm.xlane v3, v0;
	_ =	sdelay $0x1  }
0x12e: {  	v3 =	vperm.xlane v3, v2;
	v4 =	vadd.s32 v1, v58;
	_ =	sdelay $0x1  }
0x12f: {  	v3 =	vadd.s32 v1, v3;
	_ =	sdelay $0x2  }
0x130: {  	[tilespmem:s26], [sflag:$0x2] =	stream.indirect_vreg.gather [hbm4b:s3+s2], $0x80, v4, vm0, $0xb8;
	[tilespmem:$0x15900] =	vst v63  }
0x131: {  	_ = 	snop  }
0x132: {  	[tilespmem:s28], [sflag:$0x2] =	stream.indirect_vreg.gather [hbm4b:s3+s2], $0x80, v3, vm0, $0xb8;
	[tilespmem:$0x15900] =	vst v63  }
0x133: {  	v3 =	vld [tilespmem:$0x11B0];
	_ =	sdelay $0x4  }
0x134: {  	v59 =	vperm.xlane v3, v0;
	_ =	sdelay $0x1  }
0x135: {  	v3 =	vperm.xlane v3, v2;
	v4 =	vadd.s32 v1, v59;
	_ =	sdelay $0x1  }
0x136: {  	v3 =	vadd.s32 v1, v3;
	_ =	sdelay $0x2  }
0x137: {  	[tilespmem:s29], [sflag:$0x2] =	stream.indirect_vreg.gather [hbm4b:s3+s2], $0x80, v4, vm0, $0xb8;
	[tilespmem:$0x15900] =	vst v63  }
0x138: {  	_ = 	snop  }
0x139: {  	[tilespmem:s30], [sflag:$0x2] =	stream.indirect_vreg.gather [hbm4b:s3+s2], $0x80, v3, vm0, $0xb8;
	[tilespmem:$0x15900] =	vst v63  }
0x13a: {  	v3 =	vld [tilespmem:$0x1420];
	_ =	sdelay $0x4  }
0x13b: {  	v60 =	vperm.xlane v3, v0;
	_ =	sdelay $0x1  }
0x13c: {  	v3 =	vperm.xlane v3, v2;
	v4 =	vadd.s32 v1, v60;
	_ =	sdelay $0x1  }
0x13d: {  	v3 =	vadd.s32 v1, v3;
	_ =	sdelay $0x2  }
0x13e: {  	[tilespmem:s31], [sflag:$0x2] =	stream.indirect_vreg.gather [hbm4b:s3+s2], $0x80, v4, vm0, $0xb8;
	[tilespmem:$0x15900] =	vst v63  }
0x13f: {  	_ = 	snop  }
0x140: {  	[tilespmem:s0], [sflag:$0x2] =	stream.indirect_vreg.gather [hbm4b:s3+s2], $0x80, v3, vm0, $0xb8;
	[tilespmem:$0x15900] =	vst v63  }
0x141: {  	v3 =	vld [tilespmem:$0x1430];
	_ =	sdelay $0x4  }
0x142: {  	v61 =	vperm.xlane v3, v0;
	_ =	sdelay $0x1  }
0x143: {  	v3 =	vperm.xlane v3, v2;
	v4 =	vadd.s32 v1, v61;
	_ =	sdelay $0x1  }
0x144: {  	v3 =	vadd.s32 v1, v3;
	_ =	sdelay $0x2  }
0x145: {  	[tilespmem:s1], [sflag:$0x2] =	stream.indirect_vreg.gather [hbm4b:s3+s2], $0x80, v4, vm0, $0xb8;
	[tilespmem:$0x15900] =	vst v63  }
0x146: {  	_ = 	snop  }
0x147: {  	[tilespmem:s6], [sflag:$0x2] =	stream.indirect_vreg.gather [hbm4b:s3+s2], $0x80, v3, vm0, $0xb8;
	[tilespmem:$0x15900] =	vst v63  }
0x148: {  	v3 =	vld [tilespmem:$0x16A0];
	_ =	sdelay $0x4  }
0x149: {  	v62 =	vperm.xlane v3, v0;
	_ =	sdelay $0x1  }
0x14a: {  	v3 =	vperm.xlane v3, v2;
	v4 =	vadd.s32 v1, v62;
	_ =	sdelay $0x1  }
0x14b: {  	v3 =	vadd.s32 v1, v3;
	_ =	sdelay $0x2  }
0x14c: {  	[tilespmem:s7], [sflag:$0x2] =	stream.indirect_vreg.gather [hbm4b:s3+s2], $0x80, v4, vm0, $0xb8;
	[tilespmem:$0x15900] =	vst v63  }
0x14d: {  	_ = 	snop  }
0x14e: {  	[tilespmem:s8], [sflag:$0x2] =	stream.indirect_vreg.gather [hbm4b:s3+s2], $0x80, v3, vm0, $0xb8;
	[tilespmem:$0x15900] =	vst v63  }
0x14f: {  	v3 =	vld [tilespmem:$0x16B0];
	_ =	sdelay $0x4  }
0x150: {  	v63 =	vperm.xlane v3, v0;
	_ =	sdelay $0x1  }
0x151: {  	v3 =	vperm.xlane v3, v2;
	v4 =	vadd.s32 v1, v63;
	_ =	sdelay $0x1  }
0x152: {  	v3 =	vadd.s32 v1, v3;
	_ =	sdelay $0x2  }
0x153: {  	[tilespmem:s10], [sflag:$0x2] =	stream.indirect_vreg.gather [hbm4b:s3+s2], $0x80, v4, vm0, $0xb8;
	[tilespmem:$0x15900] =	vst v63  }
0x154: {  	s18 =	simm.s32 $0xCC0;
	s19 =	simm.s32 $0x0;
	s20 =	simm.s32 $0x0  }
0x155: {  	[tilespmem:s11], [sflag:$0x2] =	stream.indirect_vreg.gather [hbm4b:s3+s2], $0x80, v3, vm0, $0xb8;
	[tilespmem:$0x15900] =	vst v63  }
.LBB2_2:
0x156: {  	s21 =	sand.u32 $0x40, s19  }
0x157: {  	s22 =	sshrl.u32 s20, $0x1;
	s21 =	sor.u32 s5, s21  }
0x158: {  	s22 =	smul.u32 $0x2800, s22;
	s21 =	sshrl.u32 s21, $0x3  }
0x159: {  	s21 =	smul.u32 $0xC800, s21;
	_ =	sdelay $0x1  }
0x15a: {  	_ =	swait.ge [sflag:s12], $0xA000;
	s21 =	sadd.s32 s22, s21  }
0x15b: {  	[sflag:s12] =	ssyncset.done $0x0;
	s21 =	sshrl.u32 s21, $0x3  }
0x15c: {  	[sflag:s12] =	ssyncadd.s32 $0xFFFF6000;
	s21 =	sadd.s32 s4, s21  }
0x15d: {  	[hbm4b:s21+s13] =	stream.strided.scatter [tilespmem:s9], [sflag:$0x3], $0xA000, s14, s13, $0x38;
	[tilespmem:$0x15900] =	vst v63  }
0x15e: {  	_ =	swait.ge [sflag:s15], $0xA000  }
0x15f: {  	p0 =	seq.s32 s20, $0x9;
	[sflag:s15] =	ssyncset.done $0x0  }
.Ltmp2:
0x160: {  	s21 =	sadd.s32 $0x6400, s21;
	[sflag:s15] =	ssyncadd.s32 $0xFFFF6000;
	(pc) =	sbr.rel @p0 .LBB2_4-.Ltmp2, $4  }
0x161: {  	[hbm4b:s21+s13] =	stream.strided.scatter [tilespmem:s23], [sflag:$0x4], $0xA000, s14, s13, $0x38;
	[tilespmem:$0x15900] =	vst v63  }
0x162: {  	_ =	swait.ge [sflag:s16], $0xA000  }
0x163: {  	[sflag:s16] =	ssyncset.done $0x0  }
0x164: {  	[sflag:s16] =	ssyncadd.s32 $0xFFFF6000  }
0x165: {  	v3 =	vld [tilespmem:s18+$0xFFFFF380];
	_ =	sdelay $0x4  }
0x166: {  	v4 =	vperm.xlane v3, v0;
	_ =	sdelay $0x1  }
0x167: {  	v3 =	vperm.xlane v3, v2;
	v4 =	vadd.s32 v1, v4;
	_ =	sdelay $0x1  }
0x168: {  	v3 =	vadd.s32 v1, v3;
	_ =	sdelay $0x2  }
0x169: {  	[tilespmem:s9], [sflag:$0x1] =	stream.indirect_vreg.gather [hbm4b:s3+s2], $0x80, v4, vm0, $0xb8;
	[tilespmem:$0x15900] =	vst v63  }
0x16a: {  	s21 =	simm.s32 $0x4100  }
0x16b: {  	[tilespmem:s21], [sflag:$0x1] =	stream.indirect_vreg.gather [hbm4b:s3+s2], $0x80, v3, vm0, $0xb8;
	[tilespmem:$0x15900] =	vst v63  }
0x16c: {  	v3 =	vld [tilespmem:s18+$0xFFFFF390];
	_ =	sdelay $0x4  }
0x16d: {  	v25 =	vperm.xlane v3, v0;
	_ =	sdelay $0x1  }
0x16e: {  	v3 =	vperm.xlane v3, v2;
	v4 =	vadd.s32 v1, v25;
	_ =	sdelay $0x1  }
0x16f: {  	v3 =	vadd.s32 v1, v3;
	_ =	sdelay $0x1  }
0x170: {  	s22 =	simm.s32 $0x6900  }
0x171: {  	[tilespmem:s22], [sflag:$0x1] =	stream.indirect_vreg.gather [hbm4b:s3+s2], $0x80, v4, vm0, $0xb8;
	[tilespmem:$0x15900] =	vst v63  }
0x172: {  	s22 =	simm.s32 $0x9100  }
0x173: {  	[tilespmem:s22], [sflag:$0x1] =	stream.indirect_vreg.gather [hbm4b:s3+s2], $0x80, v3, vm0, $0xb8;
	[tilespmem:$0x15900] =	vst v63  }
0x174: {  	v3 =	vld [tilespmem:s18+$0xFFFFF600];
	_ =	sdelay $0x4  }
0x175: {  	v26 =	vperm.xlane v3, v0;
	_ =	sdelay $0x1  }
0x176: {  	v3 =	vperm.xlane v3, v2;
	v4 =	vadd.s32 v1, v26;
	_ =	sdelay $0x1  }
0x177: {  	v3 =	vadd.s32 v1, v3;
	_ =	sdelay $0x1  }
0x178: {  	s22 =	simm.s32 $0x1D00  }
0x179: {  	[tilespmem:s22], [sflag:$0x1] =	stream.indirect_vreg.gather [hbm4b:s3+s2], $0x80, v4, vm0, $0xb8;
	[tilespmem:$0x15900] =	vst v63  }
0x17a: {  	s22 =	simm.s32 $0x4500  }
0x17b: {  	[tilespmem:s22], [sflag:$0x1] =	stream.indirect_vreg.gather [hbm4b:s3+s2], $0x80, v3, vm0, $0xb8;
	[tilespmem:$0x15900] =	vst v63  }
0x17c: {  	v3 =	vld [tilespmem:s18+$0xFFFFF610];
	_ =	sdelay $0x4  }
0x17d: {  	v27 =	vperm.xlane v3, v0;
	_ =	sdelay $0x1  }
0x17e: {  	v3 =	vperm.xlane v3, v2;
	v4 =	vadd.s32 v1, v27;
	_ =	sdelay $0x1  }
0x17f: {  	v3 =	vadd.s32 v1, v3;
	_ =	sdelay $0x1  }
0x180: {  	s22 =	simm.s32 $0x6D00  }
0x181: {  	[tilespmem:s22], [sflag:$0x1] =	stream.indirect_vreg.gather [hbm4b:s3+s2], $0x80, v4, vm0, $0xb8;
	[tilespmem:$0x15900] =	vst v63  }
0x182: {  	s22 =	simm.s32 $0x9500  }
0x183: {  	[tilespmem:s22], [sflag:$0x1] =	stream.indirect_vreg.gather [hbm4b:s3+s2], $0x80, v3, vm0, $0xb8;
	[tilespmem:$0x15900] =	vst v63  }
0x184: {  	v3 =	vld [tilespmem:s18+$0xFFFFF880];
	_ =	sdelay $0x4  }
0x185: {  	v28 =	vperm.xlane v3, v0;
	_ =	sdelay $0x1  }
0x186: {  	v3 =	vperm.xlane v3, v2;
	v4 =	vadd.s32 v1, v28;
	_ =	sdelay $0x1  }
0x187: {  	v3 =	vadd.s32 v1, v3;
	_ =	sdelay $0x1  }
0x188: {  	s22 =	simm.s32 $0x2100  }
0x189: {  	[tilespmem:s22], [sflag:$0x1] =	stream.indirect_vreg.gather [hbm4b:s3+s2], $0x80, v4, vm0, $0xb8;
	[tilespmem:$0x15900] =	vst v63  }
0x18a: {  	s22 =	simm.s32 $0x4900  }
0x18b: {  	[tilespmem:s22], [sflag:$0x1] =	stream.indirect_vreg.gather [hbm4b:s3+s2], $0x80, v3, vm0, $0xb8;
	[tilespmem:$0x15900] =	vst v63  }
0x18c: {  	v3 =	vld [tilespmem:s18+$0xFFFFF890];
	_ =	sdelay $0x4  }
0x18d: {  	v29 =	vperm.xlane v3, v0;
	_ =	sdelay $0x1  }
0x18e: {  	v3 =	vperm.xlane v3, v2;
	v4 =	vadd.s32 v1, v29;
	_ =	sdelay $0x1  }
0x18f: {  	v3 =	vadd.s32 v1, v3;
	_ =	sdelay $0x1  }
0x190: {  	s22 =	simm.s32 $0x7100  }
0x191: {  	[tilespmem:s22], [sflag:$0x1] =	stream.indirect_vreg.gather [hbm4b:s3+s2], $0x80, v4, vm0, $0xb8;
	[tilespmem:$0x15900] =	vst v63  }
0x192: {  	s22 =	simm.s32 $0x9900  }
0x193: {  	[tilespmem:s22], [sflag:$0x1] =	stream.indirect_vreg.gather [hbm4b:s3+s2], $0x80, v3, vm0, $0xb8;
	[tilespmem:$0x15900] =	vst v63  }
0x194: {  	v3 =	vld [tilespmem:s18+$0xFFFFFB00];
	_ =	sdelay $0x4  }
0x195: {  	v30 =	vperm.xlane v3, v0;
	_ =	sdelay $0x1  }
0x196: {  	v3 =	vperm.xlane v3, v2;
	v4 =	vadd.s32 v1, v30;
	_ =	sdelay $0x1  }
0x197: {  	v3 =	vadd.s32 v1, v3;
	_ =	sdelay $0x1  }
0x198: {  	s22 =	simm.s32 $0x2500  }
0x199: {  	[tilespmem:s22], [sflag:$0x1] =	stream.indirect_vreg.gather [hbm4b:s3+s2], $0x80, v4, vm0, $0xb8;
	[tilespmem:$0x15900] =	vst v63  }
0x19a: {  	s22 =	simm.s32 $0x4D00  }
0x19b: {  	[tilespmem:s22], [sflag:$0x1] =	stream.indirect_vreg.gather [hbm4b:s3+s2], $0x80, v3, vm0, $0xb8;
	[tilespmem:$0x15900] =	vst v63  }
0x19c: {  	v3 =	vld [tilespmem:s18+$0xFFFFFB10];
	_ =	sdelay $0x4  }
0x19d: {  	v31 =	vperm.xlane v3, v0;
	_ =	sdelay $0x1  }
0x19e: {  	v3 =	vperm.xlane v3, v2;
	v4 =	vadd.s32 v1, v31;
	_ =	sdelay $0x1  }
0x19f: {  	v3 =	vadd.s32 v1, v3;
	_ =	sdelay $0x1  }
0x1a0: {  	s22 =	simm.s32 $0x7500  }
0x1a1: {  	[tilespmem:s22], [sflag:$0x1] =	stream.indirect_vreg.gather [hbm4b:s3+s2], $0x80, v4, vm0, $0xb8;
	[tilespmem:$0x15900] =	vst v63  }
0x1a2: {  	s22 =	simm.s32 $0x9D00  }
0x1a3: {  	[tilespmem:s22], [sflag:$0x1] =	stream.indirect_vreg.gather [hbm4b:s3+s2], $0x80, v3, vm0, $0xb8;
	[tilespmem:$0x15900] =	vst v63  }
0x1a4: {  	v3 =	vld [tilespmem:s18+$0xFFFFFD80];
	_ =	sdelay $0x4  }
0x1a5: {  	v32 =	vperm.xlane v3, v0;
	_ =	sdelay $0x1  }
0x1a6: {  	v3 =	vperm.xlane v3, v2;
	v4 =	vadd.s32 v1, v32;
	_ =	sdelay $0x1  }
0x1a7: {  	v3 =	vadd.s32 v1, v3;
	_ =	sdelay $0x1  }
0x1a8: {  	s22 =	simm.s32 $0x2900  }
0x1a9: {  	[tilespmem:s22], [sflag:$0x1] =	stream.indirect_vreg.gather [hbm4b:s3+s2], $0x80, v4, vm0, $0xb8;
	[tilespmem:$0x15900] =	vst v63  }
0x1aa: {  	s22 =	simm.s32 $0x5100  }
0x1ab: {  	[tilespmem:s22], [sflag:$0x1] =	stream.indirect_vreg.gather [hbm4b:s3+s2], $0x80, v3, vm0, $0xb8;
	[tilespmem:$0x15900] =	vst v63  }
0x1ac: {  	v3 =	vld [tilespmem:s18+$0xFFFFFD90];
	_ =	sdelay $0x4  }
0x1ad: {  	v33 =	vperm.xlane v3, v0;
	_ =	sdelay $0x1  }
0x1ae: {  	v3 =	vperm.xlane v3, v2;
	v4 =	vadd.s32 v1, v33;
	_ =	sdelay $0x1  }
0x1af: {  	v3 =	vadd.s32 v1, v3;
	_ =	sdelay $0x1  }
0x1b0: {  	s22 =	simm.s32 $0x7900  }
0x1b1: {  	[tilespmem:s22], [sflag:$0x1] =	stream.indirect_vreg.gather [hbm4b:s3+s2], $0x80, v4, vm0, $0xb8;
	[tilespmem:$0x15900] =	vst v63  }
0x1b2: {  	s22 =	simm.s32 $0xA100  }
0x1b3: {  	[tilespmem:s22], [sflag:$0x1] =	stream.indirect_vreg.gather [hbm4b:s3+s2], $0x80, v3, vm0, $0xb8;
	[tilespmem:$0x15900] =	vst v63  }
0x1b4: {  	v3 =	vld [tilespmem:s18+$0x0];
	_ =	sdelay $0x4  }
0x1b5: {  	v34 =	vperm.xlane v3, v0;
	_ =	sdelay $0x1  }
0x1b6: {  	v3 =	vperm.xlane v3, v2;
	v4 =	vadd.s32 v1, v34;
	_ =	sdelay $0x1  }
0x1b7: {  	v3 =	vadd.s32 v1, v3;
	_ =	sdelay $0x1  }
0x1b8: {  	s22 =	simm.s32 $0x2D00  }
0x1b9: {  	[tilespmem:s22], [sflag:$0x1] =	stream.indirect_vreg.gather [hbm4b:s3+s2], $0x80, v4, vm0, $0xb8;
	[tilespmem:$0x15900] =	vst v63  }
0x1ba: {  	s22 =	simm.s32 $0x5500  }
0x1bb: {  	[tilespmem:s22], [sflag:$0x1] =	stream.indirect_vreg.gather [hbm4b:s3+s2], $0x80, v3, vm0, $0xb8;
	[tilespmem:$0x15900] =	vst v63  }
0x1bc: {  	v3 =	vld [tilespmem:s18+$0x10];
	_ =	sdelay $0x4  }
0x1bd: {  	v35 =	vperm.xlane v3, v0;
	_ =	sdelay $0x1  }
0x1be: {  	v3 =	vperm.xlane v3, v2;
	v4 =	vadd.s32 v1, v35;
	_ =	sdelay $0x1  }
0x1bf: {  	v3 =	vadd.s32 v1, v3;
	_ =	sdelay $0x1  }
0x1c0: {  	s22 =	simm.s32 $0x7D00  }
0x1c1: {  	[tilespmem:s22], [sflag:$0x1] =	stream.indirect_vreg.gather [hbm4b:s3+s2], $0x80, v4, vm0, $0xb8;
	[tilespmem:$0x15900] =	vst v63  }
0x1c2: {  	s22 =	simm.s32 $0xA500  }
0x1c3: {  	[tilespmem:s22], [sflag:$0x1] =	stream.indirect_vreg.gather [hbm4b:s3+s2], $0x80, v3, vm0, $0xb8;
	[tilespmem:$0x15900] =	vst v63  }
0x1c4: {  	v3 =	vld [tilespmem:s18+$0x280];
	_ =	sdelay $0x4  }
0x1c5: {  	v36 =	vperm.xlane v3, v0;
	_ =	sdelay $0x1  }
0x1c6: {  	v3 =	vperm.xlane v3, v2;
	v4 =	vadd.s32 v1, v36;
	_ =	sdelay $0x1  }
0x1c7: {  	v3 =	vadd.s32 v1, v3;
	_ =	sdelay $0x1  }
0x1c8: {  	s22 =	simm.s32 $0x3100  }
0x1c9: {  	[tilespmem:s22], [sflag:$0x1] =	stream.indirect_vreg.gather [hbm4b:s3+s2], $0x80, v4, vm0, $0xb8;
	[tilespmem:$0x15900] =	vst v63  }
0x1ca: {  	s22 =	simm.s32 $0x5900  }
0x1cb: {  	[tilespmem:s22], [sflag:$0x1] =	stream.indirect_vreg.gather [hbm4b:s3+s2], $0x80, v3, vm0, $0xb8;
	[tilespmem:$0x15900] =	vst v63  }
0x1cc: {  	v3 =	vld [tilespmem:s18+$0x290];
	_ =	sdelay $0x4  }
0x1cd: {  	v37 =	vperm.xlane v3, v0;
	_ =	sdelay $0x1  }
0x1ce: {  	v3 =	vperm.xlane v3, v2;
	v4 =	vadd.s32 v1, v37;
	_ =	sdelay $0x1  }
0x1cf: {  	v3 =	vadd.s32 v1, v3;
	_ =	sdelay $0x1  }
0x1d0: {  	s22 =	simm.s32 $0x8100  }
0x1d1: {  	[tilespmem:s22], [sflag:$0x1] =	stream.indirect_vreg.gather [hbm4b:s3+s2], $0x80, v4, vm0, $0xb8;
	[tilespmem:$0x15900] =	vst v63  }
0x1d2: {  	s22 =	simm.s32 $0xA900  }
0x1d3: {  	[tilespmem:s22], [sflag:$0x1] =	stream.indirect_vreg.gather [hbm4b:s3+s2], $0x80, v3, vm0, $0xb8;
	[tilespmem:$0x15900] =	vst v63  }
0x1d4: {  	v3 =	vld [tilespmem:s18+$0x500];
	_ =	sdelay $0x4  }
0x1d5: {  	v38 =	vperm.xlane v3, v0;
	_ =	sdelay $0x1  }
0x1d6: {  	v3 =	vperm.xlane v3, v2;
	v4 =	vadd.s32 v1, v38;
	_ =	sdelay $0x1  }
0x1d7: {  	v3 =	vadd.s32 v1, v3;
	_ =	sdelay $0x1  }
0x1d8: {  	s22 =	simm.s32 $0x3500  }
0x1d9: {  	[tilespmem:s22], [sflag:$0x1] =	stream.indirect_vreg.gather [hbm4b:s3+s2], $0x80, v4, vm0, $0xb8;
	[tilespmem:$0x15900] =	vst v63  }
0x1da: {  	s22 =	simm.s32 $0x5D00  }
0x1db: {  	[tilespmem:s22], [sflag:$0x1] =	stream.indirect_vreg.gather [hbm4b:s3+s2], $0x80, v3, vm0, $0xb8;
	[tilespmem:$0x15900] =	vst v63  }
0x1dc: {  	v3 =	vld [tilespmem:s18+$0x510];
	_ =	sdelay $0x4  }
0x1dd: {  	v39 =	vperm.xlane v3, v0;
	_ =	sdelay $0x1  }
0x1de: {  	v3 =	vperm.xlane v3, v2;
	v4 =	vadd.s32 v1, v39;
	_ =	sdelay $0x1  }
0x1df: {  	v3 =	vadd.s32 v1, v3;
	_ =	sdelay $0x1  }
0x1e0: {  	s22 =	simm.s32 $0x8500  }
0x1e1: {  	[tilespmem:s22], [sflag:$0x1] =	stream.indirect_vreg.gather [hbm4b:s3+s2], $0x80, v4, vm0, $0xb8;
	[tilespmem:$0x15900] =	vst v63  }
0x1e2: {  	s22 =	simm.s32 $0xAD00  }
0x1e3: {  	[tilespmem:s22], [sflag:$0x1] =	stream.indirect_vreg.gather [hbm4b:s3+s2], $0x80, v3, vm0, $0xb8;
	[tilespmem:$0x15900] =	vst v63  }
0x1e4: {  	v3 =	vld [tilespmem:s18+$0x780];
	_ =	sdelay $0x4  }
0x1e5: {  	v40 =	vperm.xlane v3, v0;
	_ =	sdelay $0x1  }
0x1e6: {  	v3 =	vperm.xlane v3, v2;
	v4 =	vadd.s32 v1, v40;
	_ =	sdelay $0x1  }
0x1e7: {  	v3 =	vadd.s32 v1, v3;
	_ =	sdelay $0x1  }
0x1e8: {  	s22 =	simm.s32 $0x3900  }
0x1e9: {  	[tilespmem:s22], [sflag:$0x1] =	stream.indirect_vreg.gather [hbm4b:s3+s2], $0x80, v4, vm0, $0xb8;
	[tilespmem:$0x15900] =	vst v63  }
0x1ea: {  	s22 =	simm.s32 $0x6100  }
0x1eb: {  	[tilespmem:s22], [sflag:$0x1] =	stream.indirect_vreg.gather [hbm4b:s3+s2], $0x80, v3, vm0, $0xb8;
	[tilespmem:$0x15900] =	vst v63  }
0x1ec: {  	v3 =	vld [tilespmem:s18+$0x790];
	_ =	sdelay $0x4  }
0x1ed: {  	v41 =	vperm.xlane v3, v0;
	_ =	sdelay $0x1  }
0x1ee: {  	v3 =	vperm.xlane v3, v2;
	v4 =	vadd.s32 v1, v41;
	_ =	sdelay $0x1  }
0x1ef: {  	v3 =	vadd.s32 v1, v3;
	_ =	sdelay $0x1  }
0x1f0: {  	s22 =	simm.s32 $0x8900  }
0x1f1: {  	[tilespmem:s22], [sflag:$0x1] =	stream.indirect_vreg.gather [hbm4b:s3+s2], $0x80, v4, vm0, $0xb8;
	[tilespmem:$0x15900] =	vst v63  }
0x1f2: {  	s22 =	simm.s32 $0xB100  }
0x1f3: {  	[tilespmem:s22], [sflag:$0x1] =	stream.indirect_vreg.gather [hbm4b:s3+s2], $0x80, v3, vm0, $0xb8;
	[tilespmem:$0x15900] =	vst v63  }
0x1f4: {  	v3 =	vld [tilespmem:s18+$0xA00];
	_ =	sdelay $0x4  }
0x1f5: {  	v42 =	vperm.xlane v3, v0;
	_ =	sdelay $0x1  }
0x1f6: {  	v3 =	vperm.xlane v3, v2;
	v4 =	vadd.s32 v1, v42;
	_ =	sdelay $0x1  }
0x1f7: {  	v3 =	vadd.s32 v1, v3;
	_ =	sdelay $0x1  }
0x1f8: {  	s22 =	simm.s32 $0x3D00  }
0x1f9: {  	[tilespmem:s22], [sflag:$0x1] =	stream.indirect_vreg.gather [hbm4b:s3+s2], $0x80, v4, vm0, $0xb8;
	[tilespmem:$0x15900] =	vst v63  }
0x1fa: {  	s22 =	simm.s32 $0x6500  }
0x1fb: {  	[tilespmem:s22], [sflag:$0x1] =	stream.indirect_vreg.gather [hbm4b:s3+s2], $0x80, v3, vm0, $0xb8;
	[tilespmem:$0x15900] =	vst v63  }
0x1fc: {  	v3 =	vld [tilespmem:s18+$0xA10];
	_ =	sdelay $0x4  }
0x1fd: {  	v43 =	vperm.xlane v3, v0;
	_ =	sdelay $0x1  }
0x1fe: {  	v3 =	vperm.xlane v3, v2;
	v4 =	vadd.s32 v1, v43;
	_ =	sdelay $0x1  }
0x1ff: {  	v3 =	vadd.s32 v1, v3;
	_ =	sdelay $0x1  }
0x200: {  	s22 =	simm.s32 $0x8D00  }
0x201: {  	[tilespmem:s22], [sflag:$0x1] =	stream.indirect_vreg.gather [hbm4b:s3+s2], $0x80, v4, vm0, $0xb8;
	[tilespmem:$0x15900] =	vst v63  }
0x202: {  	s22 =	simm.s32 $0xB500  }
0x203: {  	[tilespmem:s22], [sflag:$0x1] =	stream.indirect_vreg.gather [hbm4b:s3+s2], $0x80, v3, vm0, $0xb8;
	[tilespmem:$0x15900] =	vst v63  }
0x204: {  	_ =	swait.ge [sflag:s17], $0xA000  }
0x205: {  	[sflag:s17] =	ssyncset.done $0x0  }
0x206: {  	[sflag:s17] =	ssyncadd.s32 $0xFFFF6000  }
0x207: {  	v3 =	vld [tilespmem:s18+$0xFFFFF3A0];
	_ =	sdelay $0x4  }
0x208: {  	v44 =	vperm.xlane v3, v0;
	_ =	sdelay $0x1  }
0x209: {  	v3 =	vperm.xlane v3, v2;
	v4 =	vadd.s32 v1, v44;
	_ =	sdelay $0x1  }
0x20a: {  	v3 =	vadd.s32 v1, v3;
	_ =	sdelay $0x2  }
0x20b: {  	[tilespmem:s23], [sflag:$0x2] =	stream.indirect_vreg.gather [hbm4b:s3+s2], $0x80, v4, vm0, $0xb8;
	[tilespmem:$0x15900] =	vst v63  }
0x20c: {  	s22 =	simm.s32 $0xE100  }
0x20d: {  	[tilespmem:s22], [sflag:$0x2] =	stream.indirect_vreg.gather [hbm4b:s3+s2], $0x80, v3, vm0, $0xb8;
	[tilespmem:$0x15900] =	vst v63  }
0x20e: {  	v3 =	vld [tilespmem:s18+$0xFFFFF3B0];
	_ =	sdelay $0x4  }
0x20f: {  	v45 =	vperm.xlane v3, v0;
	_ =	sdelay $0x1  }
0x210: {  	v3 =	vperm.xlane v3, v2;
	v4 =	vadd.s32 v1, v45;
	_ =	sdelay $0x1  }
0x211: {  	v3 =	vadd.s32 v1, v3;
	_ =	sdelay $0x1  }
0x212: {  	s22 =	simm.s32 $0x10900  }
0x213: {  	[tilespmem:s22], [sflag:$0x2] =	stream.indirect_vreg.gather [hbm4b:s3+s2], $0x80, v4, vm0, $0xb8;
	[tilespmem:$0x15900] =	vst v63  }
0x214: {  	s22 =	simm.s32 $0x13100  }
0x215: {  	[tilespmem:s22], [sflag:$0x2] =	stream.indirect_vreg.gather [hbm4b:s3+s2], $0x80, v3, vm0, $0xb8;
	[tilespmem:$0x15900] =	vst v63  }
0x216: {  	v3 =	vld [tilespmem:s18+$0xFFFFF620];
	_ =	sdelay $0x4  }
0x217: {  	v46 =	vperm.xlane v3, v0;
	_ =	sdelay $0x1  }
0x218: {  	v3 =	vperm.xlane v3, v2;
	v4 =	vadd.s32 v1, v46;
	_ =	sdelay $0x1  }
0x219: {  	v3 =	vadd.s32 v1, v3;
	_ =	sdelay $0x1  }
0x21a: {  	s22 =	simm.s32 $0xBD00  }
0x21b: {  	[tilespmem:s22], [sflag:$0x2] =	stream.indirect_vreg.gather [hbm4b:s3+s2], $0x80, v4, vm0, $0xb8;
	[tilespmem:$0x15900] =	vst v63  }
0x21c: {  	s22 =	simm.s32 $0xE500  }
0x21d: {  	[tilespmem:s22], [sflag:$0x2] =	stream.indirect_vreg.gather [hbm4b:s3+s2], $0x80, v3, vm0, $0xb8;
	[tilespmem:$0x15900] =	vst v63  }
0x21e: {  	v3 =	vld [tilespmem:s18+$0xFFFFF630];
	_ =	sdelay $0x4  }
0x21f: {  	v47 =	vperm.xlane v3, v0;
	_ =	sdelay $0x1  }
0x220: {  	v3 =	vperm.xlane v3, v2;
	v4 =	vadd.s32 v1, v47;
	_ =	sdelay $0x1  }
0x221: {  	v3 =	vadd.s32 v1, v3;
	_ =	sdelay $0x1  }
0x222: {  	s22 =	simm.s32 $0x10D00  }
0x223: {  	[tilespmem:s22], [sflag:$0x2] =	stream.indirect_vreg.gather [hbm4b:s3+s2], $0x80, v4, vm0, $0xb8;
	[tilespmem:$0x15900] =	vst v63  }
0x224: {  	s22 =	simm.s32 $0x13500  }
0x225: {  	[tilespmem:s22], [sflag:$0x2] =	stream.indirect_vreg.gather [hbm4b:s3+s2], $0x80, v3, vm0, $0xb8;
	[tilespmem:$0x15900] =	vst v63  }
0x226: {  	v3 =	vld [tilespmem:s18+$0xFFFFF8A0];
	_ =	sdelay $0x4  }
0x227: {  	v48 =	vperm.xlane v3, v0;
	_ =	sdelay $0x1  }
0x228: {  	v3 =	vperm.xlane v3, v2;
	v4 =	vadd.s32 v1, v48;
	_ =	sdelay $0x1  }
0x229: {  	v3 =	vadd.s32 v1, v3;
	_ =	sdelay $0x1  }
0x22a: {  	s22 =	simm.s32 $0xC100  }
0x22b: {  	[tilespmem:s22], [sflag:$0x2] =	stream.indirect_vreg.gather [hbm4b:s3+s2], $0x80, v4, vm0, $0xb8;
	[tilespmem:$0x15900] =	vst v63  }
0x22c: {  	s22 =	simm.s32 $0xE900  }
0x22d: {  	[tilespmem:s22], [sflag:$0x2] =	stream.indirect_vreg.gather [hbm4b:s3+s2], $0x80, v3, vm0, $0xb8;
	[tilespmem:$0x15900] =	vst v63  }
0x22e: {  	v3 =	vld [tilespmem:s18+$0xFFFFF8B0];
	_ =	sdelay $0x4  }
0x22f: {  	v49 =	vperm.xlane v3, v0;
	_ =	sdelay $0x1  }
0x230: {  	v3 =	vperm.xlane v3, v2;
	v4 =	vadd.s32 v1, v49;
	_ =	sdelay $0x1  }
0x231: {  	v3 =	vadd.s32 v1, v3;
	_ =	sdelay $0x1  }
0x232: {  	s22 =	simm.s32 $0x11100  }
0x233: {  	[tilespmem:s22], [sflag:$0x2] =	stream.indirect_vreg.gather [hbm4b:s3+s2], $0x80, v4, vm0, $0xb8;
	[tilespmem:$0x15900] =	vst v63  }
0x234: {  	s22 =	simm.s32 $0x13900  }
0x235: {  	[tilespmem:s22], [sflag:$0x2] =	stream.indirect_vreg.gather [hbm4b:s3+s2], $0x80, v3, vm0, $0xb8;
	[tilespmem:$0x15900] =	vst v63  }
0x236: {  	v3 =	vld [tilespmem:s18+$0xFFFFFB20];
	_ =	sdelay $0x4  }
0x237: {  	v50 =	vperm.xlane v3, v0;
	_ =	sdelay $0x1  }
0x238: {  	v3 =	vperm.xlane v3, v2;
	v4 =	vadd.s32 v1, v50;
	_ =	sdelay $0x1  }
0x239: {  	v3 =	vadd.s32 v1, v3;
	_ =	sdelay $0x1  }
0x23a: {  	s22 =	simm.s32 $0xC500  }
0x23b: {  	[tilespmem:s22], [sflag:$0x2] =	stream.indirect_vreg.gather [hbm4b:s3+s2], $0x80, v4, vm0, $0xb8;
	[tilespmem:$0x15900] =	vst v63  }
0x23c: {  	s22 =	simm.s32 $0xED00  }
0x23d: {  	[tilespmem:s22], [sflag:$0x2] =	stream.indirect_vreg.gather [hbm4b:s3+s2], $0x80, v3, vm0, $0xb8;
	[tilespmem:$0x15900] =	vst v63  }
0x23e: {  	v3 =	vld [tilespmem:s18+$0xFFFFFB30];
	_ =	sdelay $0x4  }
0x23f: {  	v51 =	vperm.xlane v3, v0;
	_ =	sdelay $0x1  }
0x240: {  	v3 =	vperm.xlane v3, v2;
	v4 =	vadd.s32 v1, v51;
	_ =	sdelay $0x1  }
0x241: {  	v3 =	vadd.s32 v1, v3;
	_ =	sdelay $0x1  }
0x242: {  	s22 =	simm.s32 $0x11500  }
0x243: {  	[tilespmem:s22], [sflag:$0x2] =	stream.indirect_vreg.gather [hbm4b:s3+s2], $0x80, v4, vm0, $0xb8;
	[tilespmem:$0x15900] =	vst v63  }
0x244: {  	s22 =	simm.s32 $0x13D00  }
0x245: {  	[tilespmem:s22], [sflag:$0x2] =	stream.indirect_vreg.gather [hbm4b:s3+s2], $0x80, v3, vm0, $0xb8;
	[tilespmem:$0x15900] =	vst v63  }
0x246: {  	v3 =	vld [tilespmem:s18+$0xFFFFFDA0];
	_ =	sdelay $0x4  }
0x247: {  	v52 =	vperm.xlane v3, v0;
	_ =	sdelay $0x1  }
0x248: {  	v3 =	vperm.xlane v3, v2;
	v4 =	vadd.s32 v1, v52;
	_ =	sdelay $0x1  }
0x249: {  	v3 =	vadd.s32 v1, v3;
	_ =	sdelay $0x1  }
0x24a: {  	s22 =	simm.s32 $0xC900  }
0x24b: {  	[tilespmem:s22], [sflag:$0x2] =	stream.indirect_vreg.gather [hbm4b:s3+s2], $0x80, v4, vm0, $0xb8;
	[tilespmem:$0x15900] =	vst v63  }
0x24c: {  	s22 =	simm.s32 $0xF100  }
0x24d: {  	[tilespmem:s22], [sflag:$0x2] =	stream.indirect_vreg.gather [hbm4b:s3+s2], $0x80, v3, vm0, $0xb8;
	[tilespmem:$0x15900] =	vst v63  }
0x24e: {  	v3 =	vld [tilespmem:s18+$0xFFFFFDB0];
	_ =	sdelay $0x4  }
0x24f: {  	v53 =	vperm.xlane v3, v0;
	_ =	sdelay $0x1  }
0x250: {  	v3 =	vperm.xlane v3, v2;
	v4 =	vadd.s32 v1, v53;
	_ =	sdelay $0x1  }
0x251: {  	v3 =	vadd.s32 v1, v3;
	_ =	sdelay $0x1  }
0x252: {  	s22 =	simm.s32 $0x11900  }
0x253: {  	[tilespmem:s22], [sflag:$0x2] =	stream.indirect_vreg.gather [hbm4b:s3+s2], $0x80, v4, vm0, $0xb8;
	[tilespmem:$0x15900] =	vst v63  }
0x254: {  	s22 =	simm.s32 $0x14100  }
0x255: {  	[tilespmem:s22], [sflag:$0x2] =	stream.indirect_vreg.gather [hbm4b:s3+s2], $0x80, v3, vm0, $0xb8;
	[tilespmem:$0x15900] =	vst v63  }
0x256: {  	v3 =	vld [tilespmem:s18+$0x20];
	_ =	sdelay $0x4  }
0x257: {  	v54 =	vperm.xlane v3, v0;
	_ =	sdelay $0x1  }
0x258: {  	v3 =	vperm.xlane v3, v2;
	v4 =	vadd.s32 v1, v54;
	_ =	sdelay $0x1  }
0x259: {  	v3 =	vadd.s32 v1, v3;
	_ =	sdelay $0x1  }
0x25a: {  	s22 =	simm.s32 $0xCD00  }
0x25b: {  	[tilespmem:s22], [sflag:$0x2] =	stream.indirect_vreg.gather [hbm4b:s3+s2], $0x80, v4, vm0, $0xb8;
	[tilespmem:$0x15900] =	vst v63  }
0x25c: {  	s22 =	simm.s32 $0xF500  }
0x25d: {  	[tilespmem:s22], [sflag:$0x2] =	stream.indirect_vreg.gather [hbm4b:s3+s2], $0x80, v3, vm0, $0xb8;
	[tilespmem:$0x15900] =	vst v63  }
0x25e: {  	v3 =	vld [tilespmem:s18+$0x30];
	_ =	sdelay $0x4  }
0x25f: {  	v55 =	vperm.xlane v3, v0;
	_ =	sdelay $0x1  }
0x260: {  	v3 =	vperm.xlane v3, v2;
	v4 =	vadd.s32 v1, v55;
	_ =	sdelay $0x1  }
0x261: {  	v3 =	vadd.s32 v1, v3;
	_ =	sdelay $0x1  }
0x262: {  	s22 =	simm.s32 $0x11D00  }
0x263: {  	[tilespmem:s22], [sflag:$0x2] =	stream.indirect_vreg.gather [hbm4b:s3+s2], $0x80, v4, vm0, $0xb8;
	[tilespmem:$0x15900] =	vst v63  }
0x264: {  	s22 =	simm.s32 $0x14500  }
0x265: {  	[tilespmem:s22], [sflag:$0x2] =	stream.indirect_vreg.gather [hbm4b:s3+s2], $0x80, v3, vm0, $0xb8;
	[tilespmem:$0x15900] =	vst v63  }
0x266: {  	v3 =	vld [tilespmem:s18+$0x2A0];
	_ =	sdelay $0x4  }
0x267: {  	v56 =	vperm.xlane v3, v0;
	_ =	sdelay $0x1  }
0x268: {  	v3 =	vperm.xlane v3, v2;
	v4 =	vadd.s32 v1, v56;
	_ =	sdelay $0x1  }
0x269: {  	v3 =	vadd.s32 v1, v3;
	_ =	sdelay $0x1  }
0x26a: {  	s22 =	simm.s32 $0xD100  }
0x26b: {  	[tilespmem:s22], [sflag:$0x2] =	stream.indirect_vreg.gather [hbm4b:s3+s2], $0x80, v4, vm0, $0xb8;
	[tilespmem:$0x15900] =	vst v63  }
0x26c: {  	s22 =	simm.s32 $0xF900  }
0x26d: {  	[tilespmem:s22], [sflag:$0x2] =	stream.indirect_vreg.gather [hbm4b:s3+s2], $0x80, v3, vm0, $0xb8;
	[tilespmem:$0x15900] =	vst v63  }
0x26e: {  	v3 =	vld [tilespmem:s18+$0x2B0];
	_ =	sdelay $0x4  }
0x26f: {  	v57 =	vperm.xlane v3, v0;
	_ =	sdelay $0x1  }
0x270: {  	v3 =	vperm.xlane v3, v2;
	v4 =	vadd.s32 v1, v57;
	_ =	sdelay $0x1  }
0x271: {  	v3 =	vadd.s32 v1, v3;
	_ =	sdelay $0x2  }
0x272: {  	[tilespmem:s24], [sflag:$0x2] =	stream.indirect_vreg.gather [hbm4b:s3+s2], $0x80, v4, vm0, $0xb8;
	[tilespmem:$0x15900] =	vst v63  }
0x273: {  	_ = 	snop  }
0x274: {  	[tilespmem:s25], [sflag:$0x2] =	stream.indirect_vreg.gather [hbm4b:s3+s2], $0x80, v3, vm0, $0xb8;
	[tilespmem:$0x15900] =	vst v63  }
0x275: {  	v3 =	vld [tilespmem:s18+$0x520];
	_ =	sdelay $0x4  }
0x276: {  	v58 =	vperm.xlane v3, v0;
	_ =	sdelay $0x1  }
0x277: {  	v3 =	vperm.xlane v3, v2;
	v4 =	vadd.s32 v1, v58;
	_ =	sdelay $0x1  }
0x278: {  	v3 =	vadd.s32 v1, v3;
	_ =	sdelay $0x2  }
0x279: {  	[tilespmem:s26], [sflag:$0x2] =	stream.indirect_vreg.gather [hbm4b:s3+s2], $0x80, v4, vm0, $0xb8;
	[tilespmem:$0x15900] =	vst v63  }
0x27a: {  	_ = 	snop  }
0x27b: {  	[tilespmem:s28], [sflag:$0x2] =	stream.indirect_vreg.gather [hbm4b:s3+s2], $0x80, v3, vm0, $0xb8;
	[tilespmem:$0x15900] =	vst v63  }
0x27c: {  	v3 =	vld [tilespmem:s18+$0x530];
	_ =	sdelay $0x4  }
0x27d: {  	v59 =	vperm.xlane v3, v0;
	_ =	sdelay $0x1  }
0x27e: {  	v3 =	vperm.xlane v3, v2;
	v4 =	vadd.s32 v1, v59;
	_ =	sdelay $0x1  }
0x27f: {  	v3 =	vadd.s32 v1, v3;
	_ =	sdelay $0x2  }
0x280: {  	[tilespmem:s29], [sflag:$0x2] =	stream.indirect_vreg.gather [hbm4b:s3+s2], $0x80, v4, vm0, $0xb8;
	[tilespmem:$0x15900] =	vst v63  }
0x281: {  	_ = 	snop  }
0x282: {  	[tilespmem:s30], [sflag:$0x2] =	stream.indirect_vreg.gather [hbm4b:s3+s2], $0x80, v3, vm0, $0xb8;
	[tilespmem:$0x15900] =	vst v63  }
0x283: {  	v3 =	vld [tilespmem:s18+$0x7A0];
	_ =	sdelay $0x4  }
0x284: {  	v60 =	vperm.xlane v3, v0;
	_ =	sdelay $0x1  }
0x285: {  	v3 =	vperm.xlane v3, v2;
	v4 =	vadd.s32 v1, v60;
	_ =	sdelay $0x1  }
0x286: {  	v3 =	vadd.s32 v1, v3;
	_ =	sdelay $0x2  }
0x287: {  	[tilespmem:s31], [sflag:$0x2] =	stream.indirect_vreg.gather [hbm4b:s3+s2], $0x80, v4, vm0, $0xb8;
	[tilespmem:$0x15900] =	vst v63  }
0x288: {  	_ = 	snop  }
0x289: {  	[tilespmem:s0], [sflag:$0x2] =	stream.indirect_vreg.gather [hbm4b:s3+s2], $0x80, v3, vm0, $0xb8;
	[tilespmem:$0x15900] =	vst v63  }
0x28a: {  	v3 =	vld [tilespmem:s18+$0x7B0];
	_ =	sdelay $0x4  }
0x28b: {  	v61 =	vperm.xlane v3, v0;
	_ =	sdelay $0x1  }
0x28c: {  	v3 =	vperm.xlane v3, v2;
	v4 =	vadd.s32 v1, v61;
	_ =	sdelay $0x1  }
0x28d: {  	v3 =	vadd.s32 v1, v3;
	_ =	sdelay $0x2  }
0x28e: {  	[tilespmem:s1], [sflag:$0x2] =	stream.indirect_vreg.gather [hbm4b:s3+s2], $0x80, v4, vm0, $0xb8;
	[tilespmem:$0x15900] =	vst v63  }
0x28f: {  	_ = 	snop  }
0x290: {  	[tilespmem:s6], [sflag:$0x2] =	stream.indirect_vreg.gather [hbm4b:s3+s2], $0x80, v3, vm0, $0xb8;
	[tilespmem:$0x15900] =	vst v63  }
0x291: {  	v3 =	vld [tilespmem:s18+$0xA20];
	_ =	sdelay $0x4  }
0x292: {  	v62 =	vperm.xlane v3, v0;
	_ =	sdelay $0x1  }
0x293: {  	v3 =	vperm.xlane v3, v2;
	v4 =	vadd.s32 v1, v62;
	_ =	sdelay $0x1  }
0x294: {  	v3 =	vadd.s32 v1, v3;
	_ =	sdelay $0x2  }
0x295: {  	[tilespmem:s7], [sflag:$0x2] =	stream.indirect_vreg.gather [hbm4b:s3+s2], $0x80, v4, vm0, $0xb8;
	[tilespmem:$0x15900] =	vst v63  }
0x296: {  	_ = 	snop  }
0x297: {  	[tilespmem:s8], [sflag:$0x2] =	stream.indirect_vreg.gather [hbm4b:s3+s2], $0x80, v3, vm0, $0xb8;
	[tilespmem:$0x15900] =	vst v63  }
0x298: {  	v3 =	vld [tilespmem:s18+$0xA30];
	_ =	sdelay $0x4  }
0x299: {  	v63 =	vperm.xlane v3, v0;
	_ =	sdelay $0x1  }
0x29a: {  	v3 =	vperm.xlane v3, v2;
	v4 =	vadd.s32 v1, v63;
	_ =	sdelay $0x1  }
0x29b: {  	v3 =	vadd.s32 v1, v3  }
.Ltmp3:
0x29c: {  	_ = 	snop;
	(pc) =	sbr.rel .LBB2_2-.Ltmp3, $4  }
0x29d: {  	_ = 	snop  }
0x29e: {  	[tilespmem:s10], [sflag:$0x2] =	stream.indirect_vreg.gather [hbm4b:s3+s2], $0x80, v4, vm0, $0xb8;
	[tilespmem:$0x15900] =	vst v63  }
0x29f: {  	s20 =	sadd.s32 $0x1, s20;
	s19 =	sadd.s32 $0x40, s19;
	s18 =	sadd.s32 $0x40, s18  }
0x2a0: {  	[tilespmem:s11], [sflag:$0x2] =	stream.indirect_vreg.gather [hbm4b:s3+s2], $0x80, v3, vm0, $0xb8;
	[tilespmem:$0x15900] =	vst v63  }
.LBB2_5:
0x2a1: {  	_ =	sfence.sel $0x180000  }
0x2a2: {  	[bflag:$0x0] =	sbarrier.arrive $0xFFFF  }
0x2a3: {  	_ =	strace $0x90000047  }
0x2a4: {  	s0 =	stileid.u32;
	[bflag:$0x2] =	sbarrier.arrive $0xFFFF  }
0x2a5: {  	p0 =	sne.s32 s0, $0x0;
	s0 =	rddreg [dreg:$0x2]  }
0x2a6: {  	s0 =	sadd.s32 @!p0 $0x100000, s0  }
0x2a7: {  	[sflag:s0] =	ssyncadd.tile.s32 @!p0 $0x1;
	_ =	shalt  }
.Lfunc_end2:
_tile_overlayer_lowered:
.L_overlay_start_2:
0x2a8: {  	(tag) =	ssettag $0x2  }
0x2a9: {  	s0 =	rddreg [dreg:$0x0];
	s2 =	stileid.u32  }
0x2aa: {  	s1 =	rddreg [dreg:$0x1];
	p0 =	sne.s32 s2, $0x0  }
0x2ab: {  	s3 =	rddreg [dreg:$0x2];
	[bflag:$0x3] =	sbarrier.arrive $0xFFFF;
	s2 =	simm.s32 @!p0 $0x1C05  }
0x2ac: {  	[timem:s3], [sflag:s2] =	dma.local @!p0 [hbm:s0], s1  }
0x2ad: {  	s0 =	simm.s32 @!p0 $0x5  }
0x2ae: {  	_ =	swait.ge @!p0 [sflag:s0], s1  }
0x2af: {  	s1 =	ssub.s32 @!p0 $0x0, s1;
	[sflag:s0] =	ssyncset.done @!p0 $0x0  }
0x2b0: {  	[sflag:s0] =	ssyncadd.s32 @!p0 s1  }
0x2b1: {  	[bflag:$0x3] =	sbarrier.arrive $0xFFFF  }
0x2b2: {  	_ =	shalt  }

</sc_bundles>
